<compile_context>
chip_gen: v7x
topology: tpu7x:2x2x1
jax: 0.10.2.dev20260603
libtpu: 0.0.44.dev20260713+nightly
codegen_flags: <defaults>
</compile_context>

<pallas_src>
import functools

import jax
import jax.numpy as jnp
from jax import lax
from jax.experimental import pallas as pl
from jax.experimental.pallas import tpu as pltpu
from jax.experimental.pallas import tpu_sc as plsc

BN = 2048
NCHUNK = 4
SC_CHUNK = 128


def _dist_body(x_ref, e_ref, dist_ref, ind_ref):
    xb = x_ref[...]
    e = e_ref[...]
    c = e.shape[0]
    d = jax.lax.dot_general(xb, e, (((1,), (1,)), ((), ())),
                            preferred_element_type=jnp.float32)
    dist_ref[...] = d
    m = jnp.max(d, axis=-1, keepdims=True)
    iota = jax.lax.broadcasted_iota(jnp.int32, d.shape, 1).astype(jnp.float32)
    w = jnp.where(d == m, iota, float(c))
    idx = jnp.min(w, axis=-1, keepdims=True)
    ind_ref[0, 0, :] = jnp.transpose(idx.astype(jnp.int32), (1, 0))[0]


def _dist_body_alias(x_ref, e_ref, dprev_ref, dist_ref, ind_ref):
    del dprev_ref
    _dist_body(x_ref, e_ref, dist_ref, ind_ref)


def _alloc_body(o_ref):
    del o_ref


def _make_sc_gather(n_sub, row_off, dim):
    info = plsc.get_sparse_core_info()
    nw = info.num_cores * info.num_subcores
    per_w = n_sub // nw
    n_inner = per_w // SC_CHUNK
    mesh = plsc.VectorSubcoreMesh(core_axis_name="c", subcore_axis_name="s")

    @functools.partial(
        pl.kernel,
        mesh=mesh,
        out_type=(),
        scratch_types=[
            pltpu.VMEM((SC_CHUNK,), jnp.int32),
            pltpu.VMEM((SC_CHUNK, dim), jnp.float32),
            pltpu.SemaphoreType.DMA,
        ],
    )
    def sc_gather(idx_hbm, table_hbm, q_hbm, idx_v, rows_v, sem):
        wid = lax.axis_index("s") * info.num_cores + lax.axis_index("c")
        for j in range(n_inner):
            base = wid * per_w + j * SC_CHUNK
            pltpu.sync_copy(idx_hbm.at[pl.ds(base, SC_CHUNK)], idx_v)
            pltpu.async_copy(table_hbm.at[idx_v], rows_v, sem).wait()
            pltpu.sync_copy(rows_v, q_hbm.at[pl.ds(row_off + base, SC_CHUNK)])

    return sc_gather


def kernel(x, embed):
    x = x.astype(jnp.float32)
    b, n, d = x.shape
    h, c, _ = embed.shape
    N = b * n
    xf = x.reshape(N, d)
    ef = embed.reshape(c, d)
    gtot = N // BN
    cpb = gtot // NCHUNK
    rows_per_chunk = cpb * BN

    qbuf = pl.pallas_call(
        _alloc_body,
        out_specs=pl.BlockSpec(memory_space=pl.ANY),
        out_shape=jax.ShapeDtypeStruct((N, d), jnp.float32),
    )()
    qref = jax.new_ref(qbuf)

    def tc_chunk(k, dist_prev):
        in_specs = [
            pl.BlockSpec((BN, d), lambda i, k=k: (i + k * cpb, 0)),
            pl.BlockSpec((c, d), lambda i: (0, 0)),
        ]
        args = [xf, ef]
        io_alias = {}
        body = _dist_body
        if dist_prev is not None:
            in_specs.append(pl.BlockSpec(memory_space=pl.ANY))
            args.append(dist_prev)
            io_alias = {2: 0}
            body = _dist_body_alias
        return pl.pallas_call(
            body,
            grid=(cpb,),
            in_specs=in_specs,
            out_specs=[
                pl.BlockSpec((BN, c), lambda i, k=k: (i + k * cpb, 0)),
                pl.BlockSpec((1, 1, BN), lambda i: (i, 0, 0)),
            ],
            out_shape=[
                jax.ShapeDtypeStruct((N, c), jnp.float32),
                jax.ShapeDtypeStruct((cpb, 1, BN), jnp.int32),
            ],
            input_output_aliases=io_alias,
        )(*args)

    dist = None
    inds = []
    for k in range(NCHUNK):
        dist, ind_k = tc_chunk(k, dist)
        _make_sc_gather(rows_per_chunk, k * rows_per_chunk, d)(
            ind_k.reshape(rows_per_chunk), ef, qref)
        inds.append(ind_k)

    quantize = qref[...].reshape(b, n, d)
    embed_ind = jnp.concatenate(inds, axis=0).reshape(b, n)
    dist_out = dist.reshape(h, b, n, c)
    return quantize, embed_ind, dist_out

# --- scband reference (transcript-rebuilt; emitter-appended) ---
"""Pipeline reference for scband-cosine-sim-codebook-58531814310488 (READ-ONLY COPY).

The authoritative reference and input builder live on the scoring server;
editing this copy changes nothing except your own understanding.
"""

import jax, jax.numpy as jnp
import numpy as np


def l2norm(t):
    n = jnp.linalg.norm(t, axis=-1, keepdims=True)
    return t / jnp.clip(n, 1e-12, None)


def setup_inputs(seed: int = 0) -> dict:
    key = jax.random.key(seed)
    kx, ke = jax.random.split(key)
    x = jax.random.normal(kx, (16, 1024, 256), dtype=jnp.float32)
    # codebook param: uniform init then l2-normalized, as in CosineSimCodebook.__init__
    embed = jax.random.uniform(ke, (1, 1024, 256), dtype=jnp.float32, minval=-1.0, maxval=1.0)
    embed = l2norm(embed)
    return {"x": x, "embed": embed}


def reference(x, embed):
    # Eval-mode forward of CosineSimCodebook (training=False -> gumbel_sample degenerates to argmax,
    # quantize via batched_embedding gather; no EMA buffer updates).
    x = x.astype(jnp.float32)
    needs_codebook_dim = x.ndim < 4
    if needs_codebook_dim:
        x = x[None, ...]  # rearrange '... -> 1 ...'
    h = x.shape[0]
    d = x.shape[-1]
    packed_shape = x.shape  # ps for unpack
    flatten = x.reshape(h, -1, d)  # pack_one 'h * d'
    # dist = einsum('h n d, h c d -> h n c', flatten, embed)
    dist = jnp.einsum('hnd,hcd->hnc', flatten, embed)
    # gumbel_sample(training=False, temperature=0) -> straight argmax
    embed_ind = jnp.argmax(dist, axis=-1)  # [h, n]
    embed_ind_unpacked = embed_ind.reshape(packed_shape[:-1])  # unpack 'h *' -> [h, b, n]
    # batched_embedding: gather codebook rows per codebook head
    quantize = jax.vmap(lambda e, i: jnp.take(e, i, axis=0))(embed, embed_ind_unpacked)  # [h, b, n, d]
    if needs_codebook_dim:
        quantize = quantize[0]
        embed_ind_unpacked = embed_ind_unpacked[0]
    # note: original keeps the h dim on dist even when needs_codebook_dim
    dist_unpacked = dist.reshape(packed_shape[:-1] + (dist.shape[-1],))  # [h, b, n, c]
    return quantize, embed_ind_unpacked, dist_unpacked

if __name__ == "__main__":
    import jax
    _d = setup_inputs()
    print(jax.jit(kernel)(*tuple(_d.values())))

</pallas_src>

<mosaic_0001>
#map = affine_map<(d0, d1) -> (0)>
#map1 = affine_map<(d0, d1) -> (0, 0)>
module attributes {stable_mosaic.version = 14 : i64} {
  func.func @new_body(%arg0: i32, %arg1: i32, %arg2: memref<4096xi32, #tpu.memory_space<hbm>>, %arg3: memref<1024x256xf32, #tpu.memory_space<hbm>>, %arg4: memref<16384x256xf32, #tpu.memory_space<hbm>>, %arg5: memref<16384x256xf32, #tpu.memory_space<hbm>>, %arg6: memref<128xi32, #tpu.memory_space<vmem>>, %arg7: memref<128x256xf32, #tpu.memory_space<vmem>>, %arg8: memref<!tpu.dma_semaphore, #tpu.memory_space<semaphore_mem>>) attributes {dimension_semantics = [#tpu.dimension_semantics<core_parallel>, #tpu.dimension_semantics<subcore_parallel>], iteration_bounds = array<i64: 2, 16>, scalar_prefetch = 0 : i64, scratch_operands = 3 : i64, tpu.core_type = #tpu.core_type<sc_vector_subcore>, window_params = [{transform_indices = #map}, {transform_indices = #map1}, {transform_indices = #map1}, {transform_indices = #map1}]} {
    %mul3A = arith.constant 2 : i32
    %mul3A_0 = arith.muli %arg1, %mul3A : i32
    %add3A = arith.addi %mul3A_0, %arg0 : i32
    %mul3A_1 = arith.constant 128 : i32
    %mul3A_2 = arith.muli %add3A, %mul3A_1 : i32
    %add3A_3 = arith.constant 0 : i32
    %add3A_4 = arith.addi %mul3A_2, %add3A_3 : i32
    "tpu.region"() ({
      %run_scoped3A = tpu.sem_alloc : memref<!tpu.dma_semaphore, #tpu.memory_space<semaphore_mem>>
      %dma_start3A_11 = tpu.memref_slice %arg2[%add3A_4] : memref<4096xi32, #tpu.memory_space<hbm>> -> memref<128xi32, #tpu.memory_space<hbm>>
      %dma_start3A_12 = tpu.memref_slice %arg2[%add3A_4] : memref<4096xi32, #tpu.memory_space<hbm>> -> memref<128xi32, #tpu.memory_space<hbm>>
      tpu.enqueue_dma source(%dma_start3A_12 : memref<128xi32, #tpu.memory_space<hbm>>) target(%arg6 : memref<128xi32, #tpu.memory_space<vmem>>) target_semaphore(%run_scoped3A : memref<!tpu.dma_semaphore, #tpu.memory_space<semaphore_mem>>)
      %dma_wait3A_13 = tpu.memref_slice %arg2[%add3A_4] : memref<4096xi32, #tpu.memory_space<hbm>> -> memref<128xi32, #tpu.memory_space<hbm>>
      %dma_wait3A_14 = tpu.memref_slice %arg2[%add3A_4] : memref<4096xi32, #tpu.memory_space<hbm>> -> memref<128xi32, #tpu.memory_space<hbm>>
      tpu.wait_dma2 semaphore(%run_scoped3A : memref<!tpu.dma_semaphore, #tpu.memory_space<semaphore_mem>>) src(%dma_wait3A_14 : memref<128xi32, #tpu.memory_space<hbm>>) dst(%arg6 : memref<128xi32, #tpu.memory_space<vmem>>)
      tpu.yield
    }) : () -> ()
    %dma_start3A = arith.constant 0 : i32
    %dma_start3A_5 = arith.constant 0 : i32
    %dma_start3A_6 = tpu.memref_slice %arg3[%dma_start3A, %dma_start3A_5] : memref<1024x256xf32, #tpu.memory_space<hbm>> -> memref<1024x256xf32, #tpu.memory_space<hbm>>
    tpu.enqueue_indirect_dma source(%dma_start3A_6 : memref<1024x256xf32, #tpu.memory_space<hbm>>) target(%arg7 : memref<128x256xf32, #tpu.memory_space<vmem>>) offsets(%arg6 : memref<128xi32, #tpu.memory_space<vmem>>) semaphore(%arg8 : memref<!tpu.dma_semaphore, #tpu.memory_space<semaphore_mem>>)
    %dma_wait3A = arith.constant 0 : i32
    %dma_wait3A_7 = arith.constant 0 : i32
    %dma_wait3A_8 = tpu.memref_slice %arg3[%dma_wait3A, %dma_wait3A_7] : memref<1024x256xf32, #tpu.memory_space<hbm>> -> memref<1024x256xf32, #tpu.memory_space<hbm>>
    tpu.wait_indirect_dma semaphore(%arg8 : memref<!tpu.dma_semaphore, #tpu.memory_space<semaphore_mem>>) src(%dma_wait3A_8 : memref<1024x256xf32, #tpu.memory_space<hbm>>) dst(%arg7 : memref<128x256xf32, #tpu.memory_space<vmem>>)
    %add3A_9 = arith.constant 8192 : i32
    %add3A_10 = arith.addi %add3A_9, %add3A_4 : i32
    "tpu.region"() ({
      %run_scoped3A = tpu.sem_alloc : memref<!tpu.dma_semaphore, #tpu.memory_space<semaphore_mem>>
      %dma_start3A_11 = arith.constant 0 : i32
      %dma_start3A_12 = tpu.memref_slice %arg4[%add3A_10, %dma_start3A_11] : memref<16384x256xf32, #tpu.memory_space<hbm>> -> memref<128x256xf32, #tpu.memory_space<hbm>>
      %dma_start3A_13 = arith.constant 0 : i32
      %dma_start3A_14 = tpu.memref_slice %arg4[%add3A_10, %dma_start3A_13] : memref<16384x256xf32, #tpu.memory_space<hbm>> -> memref<128x256xf32, #tpu.memory_space<hbm>>
      tpu.enqueue_dma source(%arg7 : memref<128x256xf32, #tpu.memory_space<vmem>>) target(%dma_start3A_14 : memref<128x256xf32, #tpu.memory_space<hbm>>) target_semaphore(%run_scoped3A : memref<!tpu.dma_semaphore, #tpu.memory_space<semaphore_mem>>)
      %dma_wait3A_15 = arith.constant 0 : i32
      %dma_wait3A_16 = tpu.memref_slice %arg4[%add3A_10, %dma_wait3A_15] : memref<16384x256xf32, #tpu.memory_space<hbm>> -> memref<128x256xf32, #tpu.memory_space<hbm>>
      %dma_wait3A_17 = arith.constant 0 : i32
      %dma_wait3A_18 = tpu.memref_slice %arg4[%add3A_10, %dma_wait3A_17] : memref<16384x256xf32, #tpu.memory_space<hbm>> -> memref<128x256xf32, #tpu.memory_space<hbm>>
      tpu.wait_dma2 semaphore(%run_scoped3A : memref<!tpu.dma_semaphore, #tpu.memory_space<semaphore_mem>>) src(%arg7 : memref<128x256xf32, #tpu.memory_space<vmem>>) dst(%dma_wait3A_18 : memref<128x256xf32, #tpu.memory_space<hbm>>)
      tpu.yield
    }) : () -> ()
    return
  }
}

#map = affine_map<(d0, d1) -> (0)>
#map1 = affine_map<(d0, d1) -> (0, 0)>
module attributes {stable_mosaic.version = 14 : i64} {
  func.func @new_body(%arg0: i32, %arg1: i32, %arg2: memref<4096xi32, #tpu.memory_space<hbm>>, %arg3: memref<1024x256xf32, #tpu.memory_space<hbm>>, %arg4: memref<16384x256xf32, #tpu.memory_space<hbm>>, %arg5: memref<16384x256xf32, #tpu.memory_space<hbm>>, %arg6: memref<128xi32, #tpu.memory_space<vmem>>, %arg7: memref<128x256xf32, #tpu.memory_space<vmem>>, %arg8: memref<!tpu.dma_semaphore, #tpu.memory_space<semaphore_mem>>) attributes {dimension_semantics = [#tpu.dimension_semantics<core_parallel>, #tpu.dimension_semantics<subcore_parallel>], iteration_bounds = array<i64: 2, 16>, scalar_prefetch = 0 : i64, scratch_operands = 3 : i64, tpu.core_type = #tpu.core_type<sc_vector_subcore>, window_params = [{transform_indices = #map}, {transform_indices = #map1}, {transform_indices = #map1}, {transform_indices = #map1}]} {
    %mul3A = arith.constant 2 : i32
    %mul3A_0 = arith.muli %arg1, %mul3A : i32
    %add3A = arith.addi %mul3A_0, %arg0 : i32
    %mul3A_1 = arith.constant 128 : i32
    %mul3A_2 = arith.muli %add3A, %mul3A_1 : i32
    %add3A_3 = arith.constant 0 : i32
    %add3A_4 = arith.addi %mul3A_2, %add3A_3 : i32
    "tpu.region"() ({
      %run_scoped3A = tpu.sem_alloc : memref<!tpu.dma_semaphore, #tpu.memory_space<semaphore_mem>>
      %dma_start3A_11 = tpu.memref_slice %arg2[%add3A_4] : memref<4096xi32, #tpu.memory_space<hbm>> -> memref<128xi32, #tpu.memory_space<hbm>>
      %dma_start3A_12 = tpu.memref_slice %arg2[%add3A_4] : memref<4096xi32, #tpu.memory_space<hbm>> -> memref<128xi32, #tpu.memory_space<hbm>>
      tpu.enqueue_dma source(%dma_start3A_12 : memref<128xi32, #tpu.memory_space<hbm>>) target(%arg6 : memref<128xi32, #tpu.memory_space<vmem>>) target_semaphore(%run_scoped3A : memref<!tpu.dma_semaphore, #tpu.memory_space<semaphore_mem>>)
      %dma_wait3A_13 = tpu.memref_slice %arg2[%add3A_4] : memref<4096xi32, #tpu.memory_space<hbm>> -> memref<128xi32, #tpu.memory_space<hbm>>
      %dma_wait3A_14 = tpu.memref_slice %arg2[%add3A_4] : memref<4096xi32, #tpu.memory_space<hbm>> -> memref<128xi32, #tpu.memory_space<hbm>>
      tpu.wait_dma2 semaphore(%run_scoped3A : memref<!tpu.dma_semaphore, #tpu.memory_space<semaphore_mem>>) src(%dma_wait3A_14 : memref<128xi32, #tpu.memory_space<hbm>>) dst(%arg6 : memref<128xi32, #tpu.memory_space<vmem>>)
      tpu.yield
    }) : () -> ()
    %dma_start3A = arith.constant 0 : i32
    %dma_start3A_5 = arith.constant 0 : i32
    %dma_start3A_6 = tpu.memref_slice %arg3[%dma_start3A, %dma_start3A_5] : memref<1024x256xf32, #tpu.memory_space<hbm>> -> memref<1024x256xf32, #tpu.memory_space<hbm>>
    tpu.enqueue_indirect_dma source(%dma_start3A_6 : memref<1024x256xf32, #tpu.memory_space<hbm>>) target(%arg7 : memref<128x256xf32, #tpu.memory_space<vmem>>) offsets(%arg6 : memref<128xi32, #tpu.memory_space<vmem>>) semaphore(%arg8 : memref<!tpu.dma_semaphore, #tpu.memory_space<semaphore_mem>>)
    %dma_wait3A = arith.constant 0 : i32
    %dma_wait3A_7 = arith.constant 0 : i32
    %dma_wait3A_8 = tpu.memref_slice %arg3[%dma_wait3A, %dma_wait3A_7] : memref<1024x256xf32, #tpu.memory_space<hbm>> -> memref<1024x256xf32, #tpu.memory_space<hbm>>
    tpu.wait_indirect_dma semaphore(%arg8 : memref<!tpu.dma_semaphore, #tpu.memory_space<semaphore_mem>>) src(%dma_wait3A_8 : memref<1024x256xf32, #tpu.memory_space<hbm>>) dst(%arg7 : memref<128x256xf32, #tpu.memory_space<vmem>>)
    %add3A_9 = arith.constant 0 : i32
    %add3A_10 = arith.addi %add3A_9, %add3A_4 : i32
    "tpu.region"() ({
      %run_scoped3A = tpu.sem_alloc : memref<!tpu.dma_semaphore, #tpu.memory_space<semaphore_mem>>
      %dma_start3A_11 = arith.constant 0 : i32
      %dma_start3A_12 = tpu.memref_slice %arg4[%add3A_10, %dma_start3A_11] : memref<16384x256xf32, #tpu.memory_space<hbm>> -> memref<128x256xf32, #tpu.memory_space<hbm>>
      %dma_start3A_13 = arith.constant 0 : i32
      %dma_start3A_14 = tpu.memref_slice %arg4[%add3A_10, %dma_start3A_13] : memref<16384x256xf32, #tpu.memory_space<hbm>> -> memref<128x256xf32, #tpu.memory_space<hbm>>
      tpu.enqueue_dma source(%arg7 : memref<128x256xf32, #tpu.memory_space<vmem>>) target(%dma_start3A_14 : memref<128x256xf32, #tpu.memory_space<hbm>>) target_semaphore(%run_scoped3A : memref<!tpu.dma_semaphore, #tpu.memory_space<semaphore_mem>>)
      %dma_wait3A_15 = arith.constant 0 : i32
      %dma_wait3A_16 = tpu.memref_slice %arg4[%add3A_10, %dma_wait3A_15] : memref<16384x256xf32, #tpu.memory_space<hbm>> -> memref<128x256xf32, #tpu.memory_space<hbm>>
      %dma_wait3A_17 = arith.constant 0 : i32
      %dma_wait3A_18 = tpu.memref_slice %arg4[%add3A_10, %dma_wait3A_17] : memref<16384x256xf32, #tpu.memory_space<hbm>> -> memref<128x256xf32, #tpu.memory_space<hbm>>
      tpu.wait_dma2 semaphore(%run_scoped3A : memref<!tpu.dma_semaphore, #tpu.memory_space<semaphore_mem>>) src(%arg7 : memref<128x256xf32, #tpu.memory_space<vmem>>) dst(%dma_wait3A_18 : memref<128x256xf32, #tpu.memory_space<hbm>>)
      tpu.yield
    }) : () -> ()
    return
  }
}

#map = affine_map<(d0, d1) -> (0)>
#map1 = affine_map<(d0, d1) -> (0, 0)>
module attributes {stable_mosaic.version = 14 : i64} {
  func.func @new_body(%arg0: i32, %arg1: i32, %arg2: memref<4096xi32, #tpu.memory_space<hbm>>, %arg3: memref<1024x256xf32, #tpu.memory_space<hbm>>, %arg4: memref<16384x256xf32, #tpu.memory_space<hbm>>, %arg5: memref<16384x256xf32, #tpu.memory_space<hbm>>, %arg6: memref<128xi32, #tpu.memory_space<vmem>>, %arg7: memref<128x256xf32, #tpu.memory_space<vmem>>, %arg8: memref<!tpu.dma_semaphore, #tpu.memory_space<semaphore_mem>>) attributes {dimension_semantics = [#tpu.dimension_semantics<core_parallel>, #tpu.dimension_semantics<subcore_parallel>], iteration_bounds = array<i64: 2, 16>, scalar_prefetch = 0 : i64, scratch_operands = 3 : i64, tpu.core_type = #tpu.core_type<sc_vector_subcore>, window_params = [{transform_indices = #map}, {transform_indices = #map1}, {transform_indices = #map1}, {transform_indices = #map1}]} {
    %mul3A = arith.constant 2 : i32
    %mul3A_0 = arith.muli %arg1, %mul3A : i32
    %add3A = arith.addi %mul3A_0, %arg0 : i32
    %mul3A_1 = arith.constant 128 : i32
    %mul3A_2 = arith.muli %add3A, %mul3A_1 : i32
    %add3A_3 = arith.constant 0 : i32
    %add3A_4 = arith.addi %mul3A_2, %add3A_3 : i32
    "tpu.region"() ({
      %run_scoped3A = tpu.sem_alloc : memref<!tpu.dma_semaphore, #tpu.memory_space<semaphore_mem>>
      %dma_start3A_11 = tpu.memref_slice %arg2[%add3A_4] : memref<4096xi32, #tpu.memory_space<hbm>> -> memref<128xi32, #tpu.memory_space<hbm>>
      %dma_start3A_12 = tpu.memref_slice %arg2[%add3A_4] : memref<4096xi32, #tpu.memory_space<hbm>> -> memref<128xi32, #tpu.memory_space<hbm>>
      tpu.enqueue_dma source(%dma_start3A_12 : memref<128xi32, #tpu.memory_space<hbm>>) target(%arg6 : memref<128xi32, #tpu.memory_space<vmem>>) target_semaphore(%run_scoped3A : memref<!tpu.dma_semaphore, #tpu.memory_space<semaphore_mem>>)
      %dma_wait3A_13 = tpu.memref_slice %arg2[%add3A_4] : memref<4096xi32, #tpu.memory_space<hbm>> -> memref<128xi32, #tpu.memory_space<hbm>>
      %dma_wait3A_14 = tpu.memref_slice %arg2[%add3A_4] : memref<4096xi32, #tpu.memory_space<hbm>> -> memref<128xi32, #tpu.memory_space<hbm>>
      tpu.wait_dma2 semaphore(%run_scoped3A : memref<!tpu.dma_semaphore, #tpu.memory_space<semaphore_mem>>) src(%dma_wait3A_14 : memref<128xi32, #tpu.memory_space<hbm>>) dst(%arg6 : memref<128xi32, #tpu.memory_space<vmem>>)
      tpu.yield
    }) : () -> ()
    %dma_start3A = arith.constant 0 : i32
    %dma_start3A_5 = arith.constant 0 : i32
    %dma_start3A_6 = tpu.memref_slice %arg3[%dma_start3A, %dma_start3A_5] : memref<1024x256xf32, #tpu.memory_space<hbm>> -> memref<1024x256xf32, #tpu.memory_space<hbm>>
    tpu.enqueue_indirect_dma source(%dma_start3A_6 : memref<1024x256xf32, #tpu.memory_space<hbm>>) target(%arg7 : memref<128x256xf32, #tpu.memory_space<vmem>>) offsets(%arg6 : memref<128xi32, #tpu.memory_space<vmem>>) semaphore(%arg8 : memref<!tpu.dma_semaphore, #tpu.memory_space<semaphore_mem>>)
    %dma_wait3A = arith.constant 0 : i32
    %dma_wait3A_7 = arith.constant 0 : i32
    %dma_wait3A_8 = tpu.memref_slice %arg3[%dma_wait3A, %dma_wait3A_7] : memref<1024x256xf32, #tpu.memory_space<hbm>> -> memref<1024x256xf32, #tpu.memory_space<hbm>>
    tpu.wait_indirect_dma semaphore(%arg8 : memref<!tpu.dma_semaphore, #tpu.memory_space<semaphore_mem>>) src(%dma_wait3A_8 : memref<1024x256xf32, #tpu.memory_space<hbm>>) dst(%arg7 : memref<128x256xf32, #tpu.memory_space<vmem>>)
    %add3A_9 = arith.constant 12288 : i32
    %add3A_10 = arith.addi %add3A_9, %add3A_4 : i32
    "tpu.region"() ({
      %run_scoped3A = tpu.sem_alloc : memref<!tpu.dma_semaphore, #tpu.memory_space<semaphore_mem>>
      %dma_start3A_11 = arith.constant 0 : i32
      %dma_start3A_12 = tpu.memref_slice %arg4[%add3A_10, %dma_start3A_11] : memref<16384x256xf32, #tpu.memory_space<hbm>> -> memref<128x256xf32, #tpu.memory_space<hbm>>
      %dma_start3A_13 = arith.constant 0 : i32
      %dma_start3A_14 = tpu.memref_slice %arg4[%add3A_10, %dma_start3A_13] : memref<16384x256xf32, #tpu.memory_space<hbm>> -> memref<128x256xf32, #tpu.memory_space<hbm>>
      tpu.enqueue_dma source(%arg7 : memref<128x256xf32, #tpu.memory_space<vmem>>) target(%dma_start3A_14 : memref<128x256xf32, #tpu.memory_space<hbm>>) target_semaphore(%run_scoped3A : memref<!tpu.dma_semaphore, #tpu.memory_space<semaphore_mem>>)
      %dma_wait3A_15 = arith.constant 0 : i32
      %dma_wait3A_16 = tpu.memref_slice %arg4[%add3A_10, %dma_wait3A_15] : memref<16384x256xf32, #tpu.memory_space<hbm>> -> memref<128x256xf32, #tpu.memory_space<hbm>>
      %dma_wait3A_17 = arith.constant 0 : i32
      %dma_wait3A_18 = tpu.memref_slice %arg4[%add3A_10, %dma_wait3A_17] : memref<16384x256xf32, #tpu.memory_space<hbm>> -> memref<128x256xf32, #tpu.memory_space<hbm>>
      tpu.wait_dma2 semaphore(%run_scoped3A : memref<!tpu.dma_semaphore, #tpu.memory_space<semaphore_mem>>) src(%arg7 : memref<128x256xf32, #tpu.memory_space<vmem>>) dst(%dma_wait3A_18 : memref<128x256xf32, #tpu.memory_space<hbm>>)
      tpu.yield
    }) : () -> ()
    return
  }
}

#map = affine_map<(d0, d1) -> (0)>
#map1 = affine_map<(d0, d1) -> (0, 0)>
module attributes {stable_mosaic.version = 14 : i64} {
  func.func @new_body(%arg0: i32, %arg1: i32, %arg2: memref<4096xi32, #tpu.memory_space<hbm>>, %arg3: memref<1024x256xf32, #tpu.memory_space<hbm>>, %arg4: memref<16384x256xf32, #tpu.memory_space<hbm>>, %arg5: memref<16384x256xf32, #tpu.memory_space<hbm>>, %arg6: memref<128xi32, #tpu.memory_space<vmem>>, %arg7: memref<128x256xf32, #tpu.memory_space<vmem>>, %arg8: memref<!tpu.dma_semaphore, #tpu.memory_space<semaphore_mem>>) attributes {dimension_semantics = [#tpu.dimension_semantics<core_parallel>, #tpu.dimension_semantics<subcore_parallel>], iteration_bounds = array<i64: 2, 16>, scalar_prefetch = 0 : i64, scratch_operands = 3 : i64, tpu.core_type = #tpu.core_type<sc_vector_subcore>, window_params = [{transform_indices = #map}, {transform_indices = #map1}, {transform_indices = #map1}, {transform_indices = #map1}]} {
    %mul3A = arith.constant 2 : i32
    %mul3A_0 = arith.muli %arg1, %mul3A : i32
    %add3A = arith.addi %mul3A_0, %arg0 : i32
    %mul3A_1 = arith.constant 128 : i32
    %mul3A_2 = arith.muli %add3A, %mul3A_1 : i32
    %add3A_3 = arith.constant 0 : i32
    %add3A_4 = arith.addi %mul3A_2, %add3A_3 : i32
    "tpu.region"() ({
      %run_scoped3A = tpu.sem_alloc : memref<!tpu.dma_semaphore, #tpu.memory_space<semaphore_mem>>
      %dma_start3A_11 = tpu.memref_slice %arg2[%add3A_4] : memref<4096xi32, #tpu.memory_space<hbm>> -> memref<128xi32, #tpu.memory_space<hbm>>
      %dma_start3A_12 = tpu.memref_slice %arg2[%add3A_4] : memref<4096xi32, #tpu.memory_space<hbm>> -> memref<128xi32, #tpu.memory_space<hbm>>
      tpu.enqueue_dma source(%dma_start3A_12 : memref<128xi32, #tpu.memory_space<hbm>>) target(%arg6 : memref<128xi32, #tpu.memory_space<vmem>>) target_semaphore(%run_scoped3A : memref<!tpu.dma_semaphore, #tpu.memory_space<semaphore_mem>>)
      %dma_wait3A_13 = tpu.memref_slice %arg2[%add3A_4] : memref<4096xi32, #tpu.memory_space<hbm>> -> memref<128xi32, #tpu.memory_space<hbm>>
      %dma_wait3A_14 = tpu.memref_slice %arg2[%add3A_4] : memref<4096xi32, #tpu.memory_space<hbm>> -> memref<128xi32, #tpu.memory_space<hbm>>
      tpu.wait_dma2 semaphore(%run_scoped3A : memref<!tpu.dma_semaphore, #tpu.memory_space<semaphore_mem>>) src(%dma_wait3A_14 : memref<128xi32, #tpu.memory_space<hbm>>) dst(%arg6 : memref<128xi32, #tpu.memory_space<vmem>>)
      tpu.yield
    }) : () -> ()
    %dma_start3A = arith.constant 0 : i32
    %dma_start3A_5 = arith.constant 0 : i32
    %dma_start3A_6 = tpu.memref_slice %arg3[%dma_start3A, %dma_start3A_5] : memref<1024x256xf32, #tpu.memory_space<hbm>> -> memref<1024x256xf32, #tpu.memory_space<hbm>>
    tpu.enqueue_indirect_dma source(%dma_start3A_6 : memref<1024x256xf32, #tpu.memory_space<hbm>>) target(%arg7 : memref<128x256xf32, #tpu.memory_space<vmem>>) offsets(%arg6 : memref<128xi32, #tpu.memory_space<vmem>>) semaphore(%arg8 : memref<!tpu.dma_semaphore, #tpu.memory_space<semaphore_mem>>)
    %dma_wait3A = arith.constant 0 : i32
    %dma_wait3A_7 = arith.constant 0 : i32
    %dma_wait3A_8 = tpu.memref_slice %arg3[%dma_wait3A, %dma_wait3A_7] : memref<1024x256xf32, #tpu.memory_space<hbm>> -> memref<1024x256xf32, #tpu.memory_space<hbm>>
    tpu.wait_indirect_dma semaphore(%arg8 : memref<!tpu.dma_semaphore, #tpu.memory_space<semaphore_mem>>) src(%dma_wait3A_8 : memref<1024x256xf32, #tpu.memory_space<hbm>>) dst(%arg7 : memref<128x256xf32, #tpu.memory_space<vmem>>)
    %add3A_9 = arith.constant 4096 : i32
    %add3A_10 = arith.addi %add3A_9, %add3A_4 : i32
    "tpu.region"() ({
      %run_scoped3A = tpu.sem_alloc : memref<!tpu.dma_semaphore, #tpu.memory_space<semaphore_mem>>
      %dma_start3A_11 = arith.constant 0 : i32
      %dma_start3A_12 = tpu.memref_slice %arg4[%add3A_10, %dma_start3A_11] : memref<16384x256xf32, #tpu.memory_space<hbm>> -> memref<128x256xf32, #tpu.memory_space<hbm>>
      %dma_start3A_13 = arith.constant 0 : i32
      %dma_start3A_14 = tpu.memref_slice %arg4[%add3A_10, %dma_start3A_13] : memref<16384x256xf32, #tpu.memory_space<hbm>> -> memref<128x256xf32, #tpu.memory_space<hbm>>
      tpu.enqueue_dma source(%arg7 : memref<128x256xf32, #tpu.memory_space<vmem>>) target(%dma_start3A_14 : memref<128x256xf32, #tpu.memory_space<hbm>>) target_semaphore(%run_scoped3A : memref<!tpu.dma_semaphore, #tpu.memory_space<semaphore_mem>>)
      %dma_wait3A_15 = arith.constant 0 : i32
      %dma_wait3A_16 = tpu.memref_slice %arg4[%add3A_10, %dma_wait3A_15] : memref<16384x256xf32, #tpu.memory_space<hbm>> -> memref<128x256xf32, #tpu.memory_space<hbm>>
      %dma_wait3A_17 = arith.constant 0 : i32
      %dma_wait3A_18 = tpu.memref_slice %arg4[%add3A_10, %dma_wait3A_17] : memref<16384x256xf32, #tpu.memory_space<hbm>> -> memref<128x256xf32, #tpu.memory_space<hbm>>
      tpu.wait_dma2 semaphore(%run_scoped3A : memref<!tpu.dma_semaphore, #tpu.memory_space<semaphore_mem>>) src(%arg7 : memref<128x256xf32, #tpu.memory_space<vmem>>) dst(%dma_wait3A_18 : memref<128x256xf32, #tpu.memory_space<hbm>>)
      tpu.yield
    }) : () -> ()
    return
  }
}

module attributes {stable_mosaic.version = 14 : i64} {
  func.func @_dist_body_alias(%arg0: i32, %arg1: memref<2048x256xf32, #tpu.memory_space<vmem>>, %arg2: memref<1024x256xf32, #tpu.memory_space<vmem>>, %arg3: memref<16384x1024xf32, #tpu.memory_space<any>>, %arg4: memref<2048x1024xf32, #tpu.memory_space<vmem>>, %arg5: memref<1x1x2048xi32, #tpu.memory_space<vmem>>) attributes {dimension_semantics = [#tpu.dimension_semantics<arbitrary>], iteration_bounds = array<i64: 2>, scalar_prefetch = 0 : i64, scratch_operands = 0 : i64, tpu.core_type = #tpu.core_type<tc>, window_params = [{transform_indices = @transform_0, window_bounds = array<i64: 2048, 256>}, {pipeline_mode = #tpu.pipeline_mode<synchronous>, transform_indices = @transform_1, window_bounds = array<i64: 1024, 256>}, {}, {transform_indices = @transform_3, window_bounds = array<i64: 2048, 1024>}, {transform_indices = @transform_4, window_bounds = array<i64: 1, 1, 2048>}]} {
    %get3A = arith.constant 0 : index
    %get3A_0 = arith.constant 0 : index
    %get3A_1 = vector.load %arg1[%get3A, %get3A_0] : memref<2048x256xf32, #tpu.memory_space<vmem>>, vector<2048x256xf32>
    %get3A_2 = arith.constant 0 : index
    %get3A_3 = arith.constant 0 : index
    %get3A_4 = vector.load %arg2[%get3A_2, %get3A_3] : memref<1024x256xf32, #tpu.memory_space<vmem>>, vector<1024x256xf32>
    %dot_general3A = arith.constant dense<0.000000e+00> : vector<2048x1024xf32>
    %dot_general3A_5 = tpu.matmul %get3A_1, %get3A_4, %dot_general3A {dimension_numbers = #tpu.dot_dimension_numbers<[1], [1], [0], [0], [0, 0, 1, 0], [], []>, transpose_lhs_hint = false} : vector<2048x256xf32>, vector<1024x256xf32>, vector<2048x1024xf32> -> vector<2048x1024xf32>
    %swap3A = arith.constant 0 : index
    %swap3A_6 = arith.constant 0 : index
    %swap3A_7 = vector.load %arg4[%swap3A, %swap3A_6] : memref<2048x1024xf32, #tpu.memory_space<vmem>>, vector<2048x1024xf32>
    tpu.vector_store %arg4[%swap3A, %swap3A_6], %dot_general3A_5 {strides = array<i32>} : memref<2048x1024xf32, #tpu.memory_space<vmem>>, vector<2048x1024xf32>,
    %reduce_max3A = arith.constant dense<0xFF800000> : vector<2048xf32>
    %reduce_max3A_8 = vector.multi_reduction <maximumf>, %dot_general3A_5, %reduce_max3A [1] : vector<2048x1024xf32> to vector<2048xf32>
    %broadcast_in_dim3A = vector.shape_cast %reduce_max3A_8 : vector<2048xf32> to vector<2048x1xf32>
    %iota3A = tpu.iota {dimensions = array<i32: 1>} : vector<2048x1024xi32>
    %convert_element_type3A = arith.sitofp %iota3A : vector<2048x1024xi32> to vector<2048x1024xf32>
    %eq3A = vector.broadcast %broadcast_in_dim3A : vector<2048x1xf32> to vector<2048x1024xf32>
    %eq3A_9 = arith.cmpf oeq, %dot_general3A_5, %eq3A : vector<2048x1024xf32>
    %jit3A = arith.constant 1.024000e+03 : f32
    %broadcast_in_dim3A_10 = vector.broadcast %jit3A : f32 to vector<2048x1024xf32>
    %select_n3A = arith.select %eq3A_9, %convert_element_type3A, %broadcast_in_dim3A_10 : vector<2048x1024xi1>, vector<2048x1024xf32>
    %reduce_min3A = arith.constant dense<0x7F800000> : vector<2048xf32>
    %reduce_min3A_11 = vector.multi_reduction <minimumf>, %select_n3A, %reduce_min3A [1] : vector<2048x1024xf32> to vector<2048xf32>
    %broadcast_in_dim3A_12 = vector.shape_cast %reduce_min3A_11 : vector<2048xf32> to vector<2048x1xf32>
    %convert_element_type3A_13 = arith.fptosi %broadcast_in_dim3A_12 : vector<2048x1xf32> to vector<2048x1xi32>
    %transpose3A = tpu.transpose %convert_element_type3A_13, [1, 0] : vector<2048x1xi32> -> vector<1x2048xi32>
    %squeeze3A = vector.shape_cast %transpose3A : vector<1x2048xi32> to vector<2048xi32>
    %swap3A_14 = arith.constant 0 : index
    %swap3A_15 = arith.constant 0 : index
    %swap3A_16 = arith.constant 0 : index
    %swap3A_17 = vector.load %arg5[%swap3A_14, %swap3A_15, %swap3A_16] : memref<1x1x2048xi32, #tpu.memory_space<vmem>>, vector<1x1x2048xi32>
    %swap3A_18 = vector.shape_cast %swap3A_17 : vector<1x1x2048xi32> to vector<2048xi32>
    %swap3A_19 = vector.shape_cast %squeeze3A : vector<2048xi32> to vector<1x1x2048xi32>
    tpu.vector_store %arg5[%swap3A_14, %swap3A_15, %swap3A_16], %swap3A_19 {strides = array<i32>} : memref<1x1x2048xi32, #tpu.memory_space<vmem>>, vector<1x1x2048xi32>,
    return
  }
  func.func @transform_0(%arg0: i32) -> (i32, i32) {
    %add3A = arith.constant 4 : i32
    %add3A_0 = arith.addi %arg0, %add3A : i32
    %c0_i32 = arith.constant 0 : i32
    %c0_i32_1 = arith.constant 0 : i32
    return %add3A_0, %c0_i32 : i32, i32
  }
  func.func @transform_1(%arg0: i32) -> (i32, i32) {
    %c0_i32 = arith.constant 0 : i32
    %c0_i32_0 = arith.constant 0 : i32
    %c0_i32_1 = arith.constant 0 : i32
    return %c0_i32, %c0_i32_0 : i32, i32
  }
  func.func @transform_3(%arg0: i32) -> (i32, i32) {
    %add3A = arith.constant 4 : i32
    %add3A_0 = arith.addi %arg0, %add3A : i32
    %c0_i32 = arith.constant 0 : i32
    %c0_i32_1 = arith.constant 0 : i32
    return %add3A_0, %c0_i32 : i32, i32
  }
  func.func @transform_4(%arg0: i32) -> (i32, i32, i32) {
    %c0_i32 = arith.constant 0 : i32
    %c0_i32_0 = arith.constant 0 : i32
    %c0_i32_1 = arith.constant 0 : i32
    return %arg0, %c0_i32, %c0_i32_0 : i32, i32, i32
  }
}

module attributes {stable_mosaic.version = 14 : i64} {
  func.func @_alloc_body(%arg0: memref<16384x256xf32, #tpu.memory_space<any>>) attributes {dimension_semantics = [], scalar_prefetch = 0 : i64, scratch_operands = 0 : i64, tpu.core_type = #tpu.core_type<tc>} {
    return
  }
}

module attributes {stable_mosaic.version = 14 : i64} {
  func.func @_dist_body(%arg0: i32, %arg1: memref<2048x256xf32, #tpu.memory_space<vmem>>, %arg2: memref<1024x256xf32, #tpu.memory_space<vmem>>, %arg3: memref<2048x1024xf32, #tpu.memory_space<vmem>>, %arg4: memref<1x1x2048xi32, #tpu.memory_space<vmem>>) attributes {dimension_semantics = [#tpu.dimension_semantics<arbitrary>], iteration_bounds = array<i64: 2>, scalar_prefetch = 0 : i64, scratch_operands = 0 : i64, tpu.core_type = #tpu.core_type<tc>, window_params = [{transform_indices = @transform_0, window_bounds = array<i64: 2048, 256>}, {pipeline_mode = #tpu.pipeline_mode<synchronous>, transform_indices = @transform_1, window_bounds = array<i64: 1024, 256>}, {transform_indices = @transform_2, window_bounds = array<i64: 2048, 1024>}, {transform_indices = @transform_3, window_bounds = array<i64: 1, 1, 2048>}]} {
    %get3A = arith.constant 0 : index
    %get3A_0 = arith.constant 0 : index
    %get3A_1 = vector.load %arg1[%get3A, %get3A_0] : memref<2048x256xf32, #tpu.memory_space<vmem>>, vector<2048x256xf32>
    %get3A_2 = arith.constant 0 : index
    %get3A_3 = arith.constant 0 : index
    %get3A_4 = vector.load %arg2[%get3A_2, %get3A_3] : memref<1024x256xf32, #tpu.memory_space<vmem>>, vector<1024x256xf32>
    %dot_general3A = arith.constant dense<0.000000e+00> : vector<2048x1024xf32>
    %dot_general3A_5 = tpu.matmul %get3A_1, %get3A_4, %dot_general3A {dimension_numbers = #tpu.dot_dimension_numbers<[1], [1], [0], [0], [0, 0, 1, 0], [], []>, transpose_lhs_hint = false} : vector<2048x256xf32>, vector<1024x256xf32>, vector<2048x1024xf32> -> vector<2048x1024xf32>
    %swap3A = arith.constant 0 : index
    %swap3A_6 = arith.constant 0 : index
    %swap3A_7 = vector.load %arg3[%swap3A, %swap3A_6] : memref<2048x1024xf32, #tpu.memory_space<vmem>>, vector<2048x1024xf32>
    tpu.vector_store %arg3[%swap3A, %swap3A_6], %dot_general3A_5 {strides = array<i32>} : memref<2048x1024xf32, #tpu.memory_space<vmem>>, vector<2048x1024xf32>,
    %reduce_max3A = arith.constant dense<0xFF800000> : vector<2048xf32>
    %reduce_max3A_8 = vector.multi_reduction <maximumf>, %dot_general3A_5, %reduce_max3A [1] : vector<2048x1024xf32> to vector<2048xf32>
    %broadcast_in_dim3A = vector.shape_cast %reduce_max3A_8 : vector<2048xf32> to vector<2048x1xf32>
    %iota3A = tpu.iota {dimensions = array<i32: 1>} : vector<2048x1024xi32>
    %convert_element_type3A = arith.sitofp %iota3A : vector<2048x1024xi32> to vector<2048x1024xf32>
    %eq3A = vector.broadcast %broadcast_in_dim3A : vector<2048x1xf32> to vector<2048x1024xf32>
    %eq3A_9 = arith.cmpf oeq, %dot_general3A_5, %eq3A : vector<2048x1024xf32>
    %jit3A = arith.constant 1.024000e+03 : f32
    %broadcast_in_dim3A_10 = vector.broadcast %jit3A : f32 to vector<2048x1024xf32>
    %select_n3A = arith.select %eq3A_9, %convert_element_type3A, %broadcast_in_dim3A_10 : vector<2048x1024xi1>, vector<2048x1024xf32>
    %reduce_min3A = arith.constant dense<0x7F800000> : vector<2048xf32>
    %reduce_min3A_11 = vector.multi_reduction <minimumf>, %select_n3A, %reduce_min3A [1] : vector<2048x1024xf32> to vector<2048xf32>
    %broadcast_in_dim3A_12 = vector.shape_cast %reduce_min3A_11 : vector<2048xf32> to vector<2048x1xf32>
    %convert_element_type3A_13 = arith.fptosi %broadcast_in_dim3A_12 : vector<2048x1xf32> to vector<2048x1xi32>
    %transpose3A = tpu.transpose %convert_element_type3A_13, [1, 0] : vector<2048x1xi32> -> vector<1x2048xi32>
    %squeeze3A = vector.shape_cast %transpose3A : vector<1x2048xi32> to vector<2048xi32>
    %swap3A_14 = arith.constant 0 : index
    %swap3A_15 = arith.constant 0 : index
    %swap3A_16 = arith.constant 0 : index
    %swap3A_17 = vector.load %arg4[%swap3A_14, %swap3A_15, %swap3A_16] : memref<1x1x2048xi32, #tpu.memory_space<vmem>>, vector<1x1x2048xi32>
    %swap3A_18 = vector.shape_cast %swap3A_17 : vector<1x1x2048xi32> to vector<2048xi32>
    %swap3A_19 = vector.shape_cast %squeeze3A : vector<2048xi32> to vector<1x1x2048xi32>
    tpu.vector_store %arg4[%swap3A_14, %swap3A_15, %swap3A_16], %swap3A_19 {strides = array<i32>} : memref<1x1x2048xi32, #tpu.memory_space<vmem>>, vector<1x1x2048xi32>,
    return
  }
  func.func @transform_0(%arg0: i32) -> (i32, i32) {
    %add3A = arith.constant 0 : i32
    %add3A_0 = arith.addi %arg0, %add3A : i32
    %c0_i32 = arith.constant 0 : i32
    %c0_i32_1 = arith.constant 0 : i32
    return %add3A_0, %c0_i32 : i32, i32
  }
  func.func @transform_1(%arg0: i32) -> (i32, i32) {
    %c0_i32 = arith.constant 0 : i32
    %c0_i32_0 = arith.constant 0 : i32
    %c0_i32_1 = arith.constant 0 : i32
    return %c0_i32, %c0_i32_0 : i32, i32
  }
  func.func @transform_2(%arg0: i32) -> (i32, i32) {
    %add3A = arith.constant 0 : i32
    %add3A_0 = arith.addi %arg0, %add3A : i32
    %c0_i32 = arith.constant 0 : i32
    %c0_i32_1 = arith.constant 0 : i32
    return %add3A_0, %c0_i32 : i32, i32
  }
  func.func @transform_3(%arg0: i32) -> (i32, i32, i32) {
    %c0_i32 = arith.constant 0 : i32
    %c0_i32_0 = arith.constant 0 : i32
    %c0_i32_1 = arith.constant 0 : i32
    return %arg0, %c0_i32, %c0_i32_0 : i32, i32, i32
  }
}

module attributes {stable_mosaic.version = 14 : i64} {
  func.func @_dist_body_alias(%arg0: i32, %arg1: memref<2048x256xf32, #tpu.memory_space<vmem>>, %arg2: memref<1024x256xf32, #tpu.memory_space<vmem>>, %arg3: memref<16384x1024xf32, #tpu.memory_space<any>>, %arg4: memref<2048x1024xf32, #tpu.memory_space<vmem>>, %arg5: memref<1x1x2048xi32, #tpu.memory_space<vmem>>) attributes {dimension_semantics = [#tpu.dimension_semantics<arbitrary>], iteration_bounds = array<i64: 2>, scalar_prefetch = 0 : i64, scratch_operands = 0 : i64, tpu.core_type = #tpu.core_type<tc>, window_params = [{transform_indices = @transform_0, window_bounds = array<i64: 2048, 256>}, {pipeline_mode = #tpu.pipeline_mode<synchronous>, transform_indices = @transform_1, window_bounds = array<i64: 1024, 256>}, {}, {transform_indices = @transform_3, window_bounds = array<i64: 2048, 1024>}, {transform_indices = @transform_4, window_bounds = array<i64: 1, 1, 2048>}]} {
    %get3A = arith.constant 0 : index
    %get3A_0 = arith.constant 0 : index
    %get3A_1 = vector.load %arg1[%get3A, %get3A_0] : memref<2048x256xf32, #tpu.memory_space<vmem>>, vector<2048x256xf32>
    %get3A_2 = arith.constant 0 : index
    %get3A_3 = arith.constant 0 : index
    %get3A_4 = vector.load %arg2[%get3A_2, %get3A_3] : memref<1024x256xf32, #tpu.memory_space<vmem>>, vector<1024x256xf32>
    %dot_general3A = arith.constant dense<0.000000e+00> : vector<2048x1024xf32>
    %dot_general3A_5 = tpu.matmul %get3A_1, %get3A_4, %dot_general3A {dimension_numbers = #tpu.dot_dimension_numbers<[1], [1], [0], [0], [0, 0, 1, 0], [], []>, transpose_lhs_hint = false} : vector<2048x256xf32>, vector<1024x256xf32>, vector<2048x1024xf32> -> vector<2048x1024xf32>
    %swap3A = arith.constant 0 : index
    %swap3A_6 = arith.constant 0 : index
    %swap3A_7 = vector.load %arg4[%swap3A, %swap3A_6] : memref<2048x1024xf32, #tpu.memory_space<vmem>>, vector<2048x1024xf32>
    tpu.vector_store %arg4[%swap3A, %swap3A_6], %dot_general3A_5 {strides = array<i32>} : memref<2048x1024xf32, #tpu.memory_space<vmem>>, vector<2048x1024xf32>,
    %reduce_max3A = arith.constant dense<0xFF800000> : vector<2048xf32>
    %reduce_max3A_8 = vector.multi_reduction <maximumf>, %dot_general3A_5, %reduce_max3A [1] : vector<2048x1024xf32> to vector<2048xf32>
    %broadcast_in_dim3A = vector.shape_cast %reduce_max3A_8 : vector<2048xf32> to vector<2048x1xf32>
    %iota3A = tpu.iota {dimensions = array<i32: 1>} : vector<2048x1024xi32>
    %convert_element_type3A = arith.sitofp %iota3A : vector<2048x1024xi32> to vector<2048x1024xf32>
    %eq3A = vector.broadcast %broadcast_in_dim3A : vector<2048x1xf32> to vector<2048x1024xf32>
    %eq3A_9 = arith.cmpf oeq, %dot_general3A_5, %eq3A : vector<2048x1024xf32>
    %jit3A = arith.constant 1.024000e+03 : f32
    %broadcast_in_dim3A_10 = vector.broadcast %jit3A : f32 to vector<2048x1024xf32>
    %select_n3A = arith.select %eq3A_9, %convert_element_type3A, %broadcast_in_dim3A_10 : vector<2048x1024xi1>, vector<2048x1024xf32>
    %reduce_min3A = arith.constant dense<0x7F800000> : vector<2048xf32>
    %reduce_min3A_11 = vector.multi_reduction <minimumf>, %select_n3A, %reduce_min3A [1] : vector<2048x1024xf32> to vector<2048xf32>
    %broadcast_in_dim3A_12 = vector.shape_cast %reduce_min3A_11 : vector<2048xf32> to vector<2048x1xf32>
    %convert_element_type3A_13 = arith.fptosi %broadcast_in_dim3A_12 : vector<2048x1xf32> to vector<2048x1xi32>
    %transpose3A = tpu.transpose %convert_element_type3A_13, [1, 0] : vector<2048x1xi32> -> vector<1x2048xi32>
    %squeeze3A = vector.shape_cast %transpose3A : vector<1x2048xi32> to vector<2048xi32>
    %swap3A_14 = arith.constant 0 : index
    %swap3A_15 = arith.constant 0 : index
    %swap3A_16 = arith.constant 0 : index
    %swap3A_17 = vector.load %arg5[%swap3A_14, %swap3A_15, %swap3A_16] : memref<1x1x2048xi32, #tpu.memory_space<vmem>>, vector<1x1x2048xi32>
    %swap3A_18 = vector.shape_cast %swap3A_17 : vector<1x1x2048xi32> to vector<2048xi32>
    %swap3A_19 = vector.shape_cast %squeeze3A : vector<2048xi32> to vector<1x1x2048xi32>
    tpu.vector_store %arg5[%swap3A_14, %swap3A_15, %swap3A_16], %swap3A_19 {strides = array<i32>} : memref<1x1x2048xi32, #tpu.memory_space<vmem>>, vector<1x1x2048xi32>,
    return
  }
  func.func @transform_0(%arg0: i32) -> (i32, i32) {
    %add3A = arith.constant 2 : i32
    %add3A_0 = arith.addi %arg0, %add3A : i32
    %c0_i32 = arith.constant 0 : i32
    %c0_i32_1 = arith.constant 0 : i32
    return %add3A_0, %c0_i32 : i32, i32
  }
  func.func @transform_1(%arg0: i32) -> (i32, i32) {
    %c0_i32 = arith.constant 0 : i32
    %c0_i32_0 = arith.constant 0 : i32
    %c0_i32_1 = arith.constant 0 : i32
    return %c0_i32, %c0_i32_0 : i32, i32
  }
  func.func @transform_3(%arg0: i32) -> (i32, i32) {
    %add3A = arith.constant 2 : i32
    %add3A_0 = arith.addi %arg0, %add3A : i32
    %c0_i32 = arith.constant 0 : i32
    %c0_i32_1 = arith.constant 0 : i32
    return %add3A_0, %c0_i32 : i32, i32
  }
  func.func @transform_4(%arg0: i32) -> (i32, i32, i32) {
    %c0_i32 = arith.constant 0 : i32
    %c0_i32_0 = arith.constant 0 : i32
    %c0_i32_1 = arith.constant 0 : i32
    return %arg0, %c0_i32, %c0_i32_0 : i32, i32, i32
  }
}

module attributes {stable_mosaic.version = 14 : i64} {
  func.func @_dist_body_alias(%arg0: i32, %arg1: memref<2048x256xf32, #tpu.memory_space<vmem>>, %arg2: memref<1024x256xf32, #tpu.memory_space<vmem>>, %arg3: memref<16384x1024xf32, #tpu.memory_space<any>>, %arg4: memref<2048x1024xf32, #tpu.memory_space<vmem>>, %arg5: memref<1x1x2048xi32, #tpu.memory_space<vmem>>) attributes {dimension_semantics = [#tpu.dimension_semantics<arbitrary>], iteration_bounds = array<i64: 2>, scalar_prefetch = 0 : i64, scratch_operands = 0 : i64, tpu.core_type = #tpu.core_type<tc>, window_params = [{transform_indices = @transform_0, window_bounds = array<i64: 2048, 256>}, {pipeline_mode = #tpu.pipeline_mode<synchronous>, transform_indices = @transform_1, window_bounds = array<i64: 1024, 256>}, {}, {transform_indices = @transform_3, window_bounds = array<i64: 2048, 1024>}, {transform_indices = @transform_4, window_bounds = array<i64: 1, 1, 2048>}]} {
    %get3A = arith.constant 0 : index
    %get3A_0 = arith.constant 0 : index
    %get3A_1 = vector.load %arg1[%get3A, %get3A_0] : memref<2048x256xf32, #tpu.memory_space<vmem>>, vector<2048x256xf32>
    %get3A_2 = arith.constant 0 : index
    %get3A_3 = arith.constant 0 : index
    %get3A_4 = vector.load %arg2[%get3A_2, %get3A_3] : memref<1024x256xf32, #tpu.memory_space<vmem>>, vector<1024x256xf32>
    %dot_general3A = arith.constant dense<0.000000e+00> : vector<2048x1024xf32>
    %dot_general3A_5 = tpu.matmul %get3A_1, %get3A_4, %dot_general3A {dimension_numbers = #tpu.dot_dimension_numbers<[1], [1], [0], [0], [0, 0, 1, 0], [], []>, transpose_lhs_hint = false} : vector<2048x256xf32>, vector<1024x256xf32>, vector<2048x1024xf32> -> vector<2048x1024xf32>
    %swap3A = arith.constant 0 : index
    %swap3A_6 = arith.constant 0 : index
    %swap3A_7 = vector.load %arg4[%swap3A, %swap3A_6] : memref<2048x1024xf32, #tpu.memory_space<vmem>>, vector<2048x1024xf32>
    tpu.vector_store %arg4[%swap3A, %swap3A_6], %dot_general3A_5 {strides = array<i32>} : memref<2048x1024xf32, #tpu.memory_space<vmem>>, vector<2048x1024xf32>,
    %reduce_max3A = arith.constant dense<0xFF800000> : vector<2048xf32>
    %reduce_max3A_8 = vector.multi_reduction <maximumf>, %dot_general3A_5, %reduce_max3A [1] : vector<2048x1024xf32> to vector<2048xf32>
    %broadcast_in_dim3A = vector.shape_cast %reduce_max3A_8 : vector<2048xf32> to vector<2048x1xf32>
    %iota3A = tpu.iota {dimensions = array<i32: 1>} : vector<2048x1024xi32>
    %convert_element_type3A = arith.sitofp %iota3A : vector<2048x1024xi32> to vector<2048x1024xf32>
    %eq3A = vector.broadcast %broadcast_in_dim3A : vector<2048x1xf32> to vector<2048x1024xf32>
    %eq3A_9 = arith.cmpf oeq, %dot_general3A_5, %eq3A : vector<2048x1024xf32>
    %jit3A = arith.constant 1.024000e+03 : f32
    %broadcast_in_dim3A_10 = vector.broadcast %jit3A : f32 to vector<2048x1024xf32>
    %select_n3A = arith.select %eq3A_9, %convert_element_type3A, %broadcast_in_dim3A_10 : vector<2048x1024xi1>, vector<2048x1024xf32>
    %reduce_min3A = arith.constant dense<0x7F800000> : vector<2048xf32>
    %reduce_min3A_11 = vector.multi_reduction <minimumf>, %select_n3A, %reduce_min3A [1] : vector<2048x1024xf32> to vector<2048xf32>
    %broadcast_in_dim3A_12 = vector.shape_cast %reduce_min3A_11 : vector<2048xf32> to vector<2048x1xf32>
    %convert_element_type3A_13 = arith.fptosi %broadcast_in_dim3A_12 : vector<2048x1xf32> to vector<2048x1xi32>
    %transpose3A = tpu.transpose %convert_element_type3A_13, [1, 0] : vector<2048x1xi32> -> vector<1x2048xi32>
    %squeeze3A = vector.shape_cast %transpose3A : vector<1x2048xi32> to vector<2048xi32>
    %swap3A_14 = arith.constant 0 : index
    %swap3A_15 = arith.constant 0 : index
    %swap3A_16 = arith.constant 0 : index
    %swap3A_17 = vector.load %arg5[%swap3A_14, %swap3A_15, %swap3A_16] : memref<1x1x2048xi32, #tpu.memory_space<vmem>>, vector<1x1x2048xi32>
    %swap3A_18 = vector.shape_cast %swap3A_17 : vector<1x1x2048xi32> to vector<2048xi32>
    %swap3A_19 = vector.shape_cast %squeeze3A : vector<2048xi32> to vector<1x1x2048xi32>
    tpu.vector_store %arg5[%swap3A_14, %swap3A_15, %swap3A_16], %swap3A_19 {strides = array<i32>} : memref<1x1x2048xi32, #tpu.memory_space<vmem>>, vector<1x1x2048xi32>,
    return
  }
  func.func @transform_0(%arg0: i32) -> (i32, i32) {
    %add3A = arith.constant 6 : i32
    %add3A_0 = arith.addi %arg0, %add3A : i32
    %c0_i32 = arith.constant 0 : i32
    %c0_i32_1 = arith.constant 0 : i32
    return %add3A_0, %c0_i32 : i32, i32
  }
  func.func @transform_1(%arg0: i32) -> (i32, i32) {
    %c0_i32 = arith.constant 0 : i32
    %c0_i32_0 = arith.constant 0 : i32
    %c0_i32_1 = arith.constant 0 : i32
    return %c0_i32, %c0_i32_0 : i32, i32
  }
  func.func @transform_3(%arg0: i32) -> (i32, i32) {
    %add3A = arith.constant 6 : i32
    %add3A_0 = arith.addi %arg0, %add3A : i32
    %c0_i32 = arith.constant 0 : i32
    %c0_i32_1 = arith.constant 0 : i32
    return %add3A_0, %c0_i32 : i32, i32
  }
  func.func @transform_4(%arg0: i32) -> (i32, i32, i32) {
    %c0_i32 = arith.constant 0 : i32
    %c0_i32_0 = arith.constant 0 : i32
    %c0_i32_1 = arith.constant 0 : i32
    return %arg0, %c0_i32, %c0_i32_0 : i32, i32, i32
  }
}

</mosaic_0001>

<sc_bundles>
// kernel: kernel.11.cloned.1.call-start
scs
__scs_entry_jumppad:
0x0: {  	(pc) =	sbr.rel $0x88, $3  }
0x1: {  	(tag) =	ssettag $0x0;
	lr =	simm.s32 $0x1  }
0x2: {  	[smem:$0x3F9F] =	sst lr;
	_ =	strace $0xD0000000  }
0x3: {  	_ = 	snop  }
0x4: {  	_ = 	snop  }
0x5: {  	_ = 	snop  }
0x6: {  	_ = 	snop  }
0x7: {  	_ = 	snop  }
__scs_overlays_trampoline_lowered:
0x8: {  	[smem:$0x3FAE] =	sst s0  }
0x9: {  	[smem:$0x3FAF] =	sst s1  }
0xa: {  	[smem:$0x3FB0] =	sst s2  }
0xb: {  	[smem:$0x3FB1] =	sst s3  }
0xc: {  	[smem:$0x3FB2] =	sst s4  }
0xd: {  	[smem:$0x3FB3] =	sst s5  }
0xe: {  	[smem:$0x3FB4] =	sst s6  }
0xf: {  	[smem:$0x3FB5] =	sst s7  }
0x10: {  	[smem:$0x3FB6] =	sst s8  }
0x11: {  	[smem:$0x3FB7] =	sst s9;
	s0 =	simm.s32 @!p0 $0x0  }
0x12: {  	s1 =	sld [smem:$0x3F9D];
	s0 =	simm.s32 @p0 $0x1  }
0x13: {  	[smem:$0x3FB8] =	sst s0;
	s0 =	simm.s32 @!p1 $0x0  }
0x14: {  	s2 =	sld [smem:$0x3F9C];
	s0 =	simm.s32 @p1 $0x1  }
0x15: {  	[smem:$0x3FB9] =	sst s0;
	s0 =	simm.s32 @!p2 $0x0  }
0x16: {  	s3 =	sld [smem:$0x3FDB];
	s0 =	simm.s32 @p2 $0x1  }
0x17: {  	s4 =	simm.s32 $0x1BF5;
	[smem:$0x3FBB] =	sst s0  }
0x18: {  	s0 =	sld [smem:$0x3F9E];
	_ =	swait.ge [sflag:s4], $0x0  }
0x19: {  	s7 =	sld [smem:$0x3F9F]  }
0x1a: {  	s8 =	sadd.s32 $0xFFFFE003, lr  }
0x1b: {  	s9 =	sadd.s32 $0xFFFFFEF7, lr;
	s5 =	simm.s32 $0xFFFFFFFF;
	p2 =	slt.u32 s8, $0xFFFFF086  }
0x1c: {  	p1 =	slt.u32 s9, $0xF7A;
	s5 =	simm.s32 @!p2 $0x0  }
0x1d: {  	s5 =	simm.s32 @p1 $0x1;
	p0 =	seq.s32 s7, s2  }
0x1e: {  	s7 =	smul.u32 @!p0 $0xF7A, s2;
	p2 =	seq.s32 @!p0 s5, $0x0  }
0x1f: {  	s9 =	smul.u32 $0xF7A, s1;
	s8 =	simm.s32 @!p0 $0x1BF5;
	p2 =	por !p2, p0  }
0x20: {  	[sflag:s8] =	ssyncset.s32 @!p0 $0xFFFFF086;
	s6 =	sadd.s32 @!p0 s3, s7;
	s7 =	simm.s32 @!p0 $0x108  }
0x21: {  	s3 =	sadd.s32 s3, s9;
	s6 =	sadd.s32 @!p0 $0x88, s6;
	s7 =	simm.s32 @p2 $0x1082  }
0x22: {  	[simem:s7], [sflag:s8] =	dma.local @!p0 [hbm:s6], $0xF7A  }
0x23: {  	s9 =	sor.u32 $0xD0000000, s2;
	s6 =	simm.s32 $0x108;
	_ =	swait.ge @!p0 [sflag:s8], $0x0  }
0x24: {  	s3 =	sadd.s32 $0x88, s3;
	s6 =	simm.s32 @!p1 $0x1082;
	[sflag:s4] =	ssyncset.s32 $0xFFFFF086  }
0x25: {  	[simem:s6], [sflag:s4] =	dma.local [hbm:s3], $0xF7A  }
0x26: {  	[smem:$0x3F9F] =	sst s1;
	(tag) =	ssettag s2;
	_ =	strace s9  }
0x27: {  	s1 =	sld [smem:$0x3FAF]  }
0x28: {  	s2 =	sld [smem:$0x3FB0]  }
0x29: {  	s4 =	sld [smem:$0x3FB2]  }
0x2a: {  	p0 =	seq.s32 s5, $0x0;
	s5 =	sld [smem:$0x3FB3]  }
0x2b: {  	s6 =	sld [smem:$0x3FB4]  }
0x2c: {  	s7 =	sld [smem:$0x3FB5]  }
0x2d: {  	s3 =	simm.s32 $0x108;
	s8 =	sld [smem:$0x3FB6]  }
0x2e: {  	s3 =	simm.s32 @!p0 $0x1082;
	s9 =	sld [smem:$0x3FB7]  }
0x2f: {  	lr =	sadd.s32 s0, s3;
	s0 =	sld [smem:$0x3FAE]  }
0x30: {  	s3 =	sld [smem:$0x3FB1]  }
0x31: {  	[smem:$0x3FBA] =	sst s10  }
0x32: {  	s10 =	sld [smem:$0x3FB8];
	_ =	sdelay $0x3  }
0x33: {  	p0 =	seq.s32 s10, $0x1;
	s10 =	sld [smem:$0x3FBA];
	_ =	sdelay $0x3  }
0x34: {  	[smem:$0x3FBA] =	sst s10  }
0x35: {  	s10 =	sld [smem:$0x3FB9];
	_ =	sdelay $0x3  }
0x36: {  	p1 =	seq.s32 s10, $0x1;
	s10 =	sld [smem:$0x3FBA];
	_ =	sdelay $0x3  }
0x37: {  	[smem:$0x3FBA] =	sst s10  }
0x38: {  	s10 =	sld [smem:$0x3FBB]  }
0x39: {  	_ = 	snop;
	(pc) =	sbr.ind lr, $3  }
0x3a: {  	_ = 	snop  }
0x3b: {  	_ = 	snop  }
0x3c: {  	p2 =	seq.s32 s10, $0x1;
	s10 =	sld [smem:$0x3FBA]  }
0x3d: {  	_ =	shalt  }
0x3e: {  	_ =	shalt  }
0x3f: {  	_ =	shalt  }
0x40: {  	_ =	shalt  }
0x41: {  	_ =	shalt  }
0x42: {  	_ =	shalt  }
0x43: {  	_ =	shalt  }
0x44: {  	_ =	shalt  }
0x45: {  	_ =	shalt  }
0x46: {  	_ =	shalt  }
0x47: {  	_ =	shalt  }
0x48: {  	_ =	shalt  }
0x49: {  	_ =	shalt  }
0x4a: {  	_ =	shalt  }
0x4b: {  	_ =	shalt  }
0x4c: {  	_ =	shalt  }
0x4d: {  	_ =	shalt  }
0x4e: {  	_ =	shalt  }
0x4f: {  	_ =	shalt  }
0x50: {  	_ =	shalt  }
0x51: {  	_ =	shalt  }
0x52: {  	_ =	shalt  }
0x53: {  	_ =	shalt  }
0x54: {  	_ =	shalt  }
0x55: {  	_ =	shalt  }
0x56: {  	_ =	shalt  }
0x57: {  	_ =	shalt  }
0x58: {  	_ =	shalt  }
0x59: {  	_ =	shalt  }
0x5a: {  	_ =	shalt  }
0x5b: {  	_ =	shalt  }
0x5c: {  	_ =	shalt  }
0x5d: {  	_ =	shalt  }
0x5e: {  	_ =	shalt  }
0x5f: {  	_ =	shalt  }
0x60: {  	_ =	shalt  }
0x61: {  	_ =	shalt  }
0x62: {  	_ =	shalt  }
0x63: {  	_ =	shalt  }
0x64: {  	_ =	shalt  }
0x65: {  	_ =	shalt  }
0x66: {  	_ =	shalt  }
0x67: {  	_ =	shalt  }
0x68: {  	_ =	shalt  }
0x69: {  	_ =	shalt  }
0x6a: {  	_ =	shalt  }
0x6b: {  	_ =	shalt  }
0x6c: {  	_ =	shalt  }
0x6d: {  	_ =	shalt  }
0x6e: {  	_ =	shalt  }
0x6f: {  	_ =	shalt  }
0x70: {  	_ =	shalt  }
0x71: {  	_ =	shalt  }
0x72: {  	_ =	shalt  }
0x73: {  	_ =	shalt  }
0x74: {  	_ =	shalt  }
0x75: {  	_ =	shalt  }
0x76: {  	_ =	shalt  }
0x77: {  	_ =	shalt  }
0x78: {  	_ =	shalt  }
0x79: {  	_ =	shalt  }
0x7a: {  	_ =	shalt  }
0x7b: {  	_ =	shalt  }
0x7c: {  	_ =	shalt  }
0x7d: {  	_ =	shalt  }
0x7e: {  	_ =	shalt  }
0x7f: {  	_ =	shalt  }
0x80: {  	_ =	shalt  }
0x81: {  	_ =	shalt  }
0x82: {  	_ =	shalt  }
0x83: {  	_ =	shalt  }
0x84: {  	_ =	shalt  }
0x85: {  	_ =	shalt  }
0x86: {  	_ =	shalt  }
0x87: {  	_ =	shalt  }
.Lfunc_end0:
.L_simem_size_0:
called_computation_lowered:
.L_overlay_start_0:
0x88: {  	s2 =	sld [smem:$0x3FD9]  }
0x89: {  	s3 =	sld [smem:$0x3FFE];
	_ =	sdelay $0x1  }
0x8a: {  	s1 =	srdreg.scid  }
0x8b: {  	s0 =	sand.u32 $0x1, s1  }
0x8c: {  	s14 =	sshll.u32 s0, $0xA;
	s2 =	sadd.s32 s3, s2  }
0x8d: {  	s2 =	sadd.s32 s2, s14  }
0x8e: {  	[smem:$0x3FC6] =	sst s2  }
0x8f: {  	_ = 	snop  }
0x90: {  	s2 =	sld [smem:$0x3FD0];
	_ =	sdelay $0x2  }
0x91: {  	s4 =	simm.s32 $0xA;
	s5 =	simm.s32 $0x10;
	s15 =	sld [smem:$0x3FC8]  }
0x92: {  	[smem:s5], [sflag:s4] =	dma.local [hbm:s2], $0x1  }
0x93: {  	_ =	swait.eq [sflag:s4], $0x1  }
0x94: {  	[sflag:s4] =	ssyncset.done $0x0  }
0x95: {  	[sflag:s4] =	ssyncadd.s32 $0xFFFFFFFF  }
0x96: {  	s16 =	sld [smem:$0x10];
	(tm) =	ssettm $0x1  }
0x97: {  	s17 =	sld [smem:$0x3FFB];
	_ =	sdelay $0x3  }
0x98: {  	_ =	strace s17  }
0x99: {  	s4 =	sld [smem:$0x3FFC];
	_ =	sdelay $0x3  }
0x9a: {  	_ =	strace s4  }
0x9b: {  	s4 =	sld [smem:$0x3FFD];
	_ =	sdelay $0x3  }
0x9c: {  	_ =	strace s4  }
0x9d: {  	_ =	strace $0x8FFFFFFF  }
0x9e: {  	s18 =	sld [smem:$0x3FDB];
	_ =	sdelay $0x1  }
0x9f: {  	s19 =	simm.s32 $_scs_section_size  }
0xa0: {  	s6 =	simm.s32 $_size__tile_overlayer_lowered;
	s7 =	simm.s32 $_tile_overlayer_lowered  }
0xa1: {  	s22 =	simm.s32 $0x1BFF;
	s21 =	sshll.u32 s7, $0x1;
	s4 =	sadd.s32 s19, s18  }
0xa2: {  	s8 =	simm.s32 $0x0;
	s20 =	sshll.u32 s6, $0x1;
	s6 =	sadd.s32 s21, s4  }
0xa3: {  	[timem:s8], [sflag:s22] =	dma.local [hbm:s6], s20  }
0xa4: {  	_ =	swait.ge [sflag:s22], s20  }
0xa5: {  	s5 =	ssub.s32 $0x0, s20;
	[sflag:s22] =	ssyncset.done $0x0  }
0xa6: {  	[sflag:s22] =	ssyncadd.s32 s5;
	_ =	sdelay $0x1  }
0xa7: {  	s23 =	simm.s32 $0x1B8B  }
0xa8: {  	_ =	swait.ge [sflag:s23], $0x1  }
0xa9: {  	[sflag:s23] =	ssyncset.done $0x0  }
0xaa: {  	s25 =	simm.s32 $0x1B8E;
	s24 =	sld [smem:$0x3FFE];
	[sflag:s23] =	ssyncadd.s32 $0xFFFFFFFF  }
0xab: {  	s26 =	simm.s32 $execute0_lowered;
	[smem:$0x3FD2] =	sst s25  }
0xac: {  	s6 =	sshll.u32 s26, $0x1;
	_ =	strace $0x80000046;
	[dreg:$0x1] =	wrdreg $0xFFFFFFFF  }
0xad: {  	s28 =	simm.s32 $_size_execute0_lowered;
	s4 =	sadd.s32 s4, s6;
	[dreg:$0x0] =	wrdreg $0x0  }
0xae: {  	s6 =	sshll.u32 s28, $0x1;
	[dreg:$0x2] =	wrdreg s4  }
0xaf: {  	[dreg:$0x3] =	wrdreg s6  }
0xb0: {  	[dreg:$0x4] =	wrdreg $0xC0  }
0xb1: {  	_ =	task [dreg:s8], $0x5FFFF  }
0xb2: {  	[dreg:$0x1] =	wrdreg $0xFFFFFFFF  }
0xb3: {  	[dreg:$0x0] =	wrdreg $0x60  }
0xb4: {  	[dreg:$0x2] =	wrdreg s24  }
0xb5: {  	[dreg:$0x3] =	wrdreg s15  }
0xb6: {  	[dreg:$0x4] =	wrdreg s16  }
0xb7: {  	[dreg:$0x5] =	wrdreg $0x9  }
0xb8: {  	_ =	task.clear_ibuf [dreg:s8], $0x6FFFF;
	_ =	strace $0x90000046  }
0xb9: {  	s29 =	simm.s32 $0x9;
	_ =	strace $0x80000048  }
0xba: {  	_ =	swait.ge [sflag:s29], $0x1  }
0xbb: {  	[sflag:s29] =	ssyncadd.s32 $0xFFFFFFFF  }
0xbc: {  	_ =	strace $0x90000048  }
0xbd: {  	_ =	sfence  }
0xbe: {  	s30 =	sld [smem:$0x0];
	_ =	sdelay $0x2  }
0xbf: {  	s31 =	sshll.u32 s1, $0xD;
	s1 =	sshrl.u32 s1, $0x2  }
0xc0: {  	s3 =	sand.u32 $0x4000, s31;
	s1 =	sadd.s32 s1, s30  }
0xc1: {  	s0 =	sor.u32 s3, s0;
	s1 =	sshll.u32 s1, $0x11  }
0xc2: {  	s0 =	sor.u32 s1, s0  }
0xc3: {  	s0 =	sadd.s32 $0x8F2B, s0  }
0xc4: {  	[sflag:s0] =	ssyncadd.remote.s32 $0x1  }
0xc5: {  	_ =	sfence.sel $0xFFFF  }
0xc6: {  	[dreg:$0x0] =	wrdreg $0xFFFFFFFF;
	(pc) =	sbr.abs _section_cstart, $3  }
0xc7: {  	[dreg:$0x1] =	wrdreg $0xFFFFFFFF  }
0xc8: {  	_ =	task.clear_ibuf [dreg:s8], $0x2FFFF;
	_ =	strace $0x9FFFFFFF  }
0xc9: {  	(tm) =	ssettm $0x7FFFFFFF  }
tec
execute0_lowered:
.L_overlay_start_1:
0x0: {  	(tag) =	ssettag $0x1  }
0x1: {  	s4 =	rddreg [dreg:$0x0]  }
0x2: {  	s2 =	rddreg [dreg:$0x1]  }
0x3: {  	s5 =	rddreg [dreg:$0x2];
	s3 =	srdreg.scid  }
0x4: {  	s0 =	rddreg [dreg:$0x3];
	s1 =	stileid.u32;
	s10 =	simm.s32 $0x1080  }
0x5: {  	s11 =	simm.s32 $0x1880;
	s12 =	simm.s32 $0x2080;
	s13 =	simm.s32 $0x2880  }
0x6: {  	s14 =	simm.s32 $0x3080;
	s15 =	simm.s32 $0x3880;
	s16 =	simm.s32 $0x4080  }
0x7: {  	s17 =	simm.s32 $0x4880;
	s18 =	simm.s32 $0x5080;
	s19 =	simm.s32 $0x5880  }
0x8: {  	s20 =	simm.s32 $0x6080;
	s21 =	simm.s32 $0x6880;
	s22 =	simm.s32 $0x7080  }
0x9: {  	s23 =	simm.s32 $0x7880;
	s24 =	simm.s32 $0x1;
	s6 =	sand.u32 $0x1, s3  }
0xa: {  	s3 =	simm.s32 $0x0;
	s7 =	sshll.u32 s1, $0x8;
	s8 =	sshll.u32 s6, $0x7  }
0xb: {  	[smem:$0x7FF] =	sst s3;
	s6 =	ssub.s32 $0x2, s6;
	s7 =	sor.u32 s8, s7  }
0xc: {  	_ =	strace $0x80000047;
	s9 =	sshrl.u32 s6, $0x1;
	s8 =	sshrl.u32 s7, $0x3  }
0xd: {  	v2 =	vlaneseq.u32;
	s6 =	ssub.s32 s6, s9;
	s7 =	sshll.u32 s7, $0x5;
	s9 =	simm.s32 $0x880  }
0xe: {  	vm0 =	vmmov $0xffff;
	v1 =	vshrl.u32 v2, $0x3;
	s4 =	sadd.s32 s8, s4;
	s5 =	sadd.s32 s5, s7;
	s6 =	smax.u32 s6, $0x1  }
0xf: {  	v0 =	vand.u32 $0x7, v2;
	v2 =	vor.u32 $0x8, v2;
	v1 =	vmul.u32 $0x8, v1;
	s7 =	simm.s32 $0x2;
	s8 =	simm.s32 $0x80;
	s4 =	sadd.s32 $0x2E00, s4  }
.LBB2_1:
0x10: {  	[tilespmem:s3], [sflag:$0x2] =	stream.linear.gather [hbm4b:s4+s3], $0x80, $0x38;
	[tilespmem:$0x8080] =	vst v63  }
0x11: {  	_ =	swait.ge [sflag:s7], $0x80  }
0x12: {  	[sflag:s7] =	ssyncset.done $0x0  }
0x13: {  	[sflag:s7] =	ssyncadd.s32 $0xFFFFFF80  }
0x14: {  	v3 =	vld [tilespmem:$0x0];
	_ =	sdelay $0x4  }
0x15: {  	v4 =	vshll.u32 v3, $0x1  }
0x16: {  	v3 =	vand.u32 $0x7, v3;
	v4 =	vand.u32 $0xFFFFFFF0, v4  }
0x17: {  	v3 =	vor.u32 v3, v4  }
0x18: {  	v4 =	vperm.xlane v3, v0;
	_ =	sdelay $0x1  }
0x19: {  	v3 =	vperm.xlane v3, v2;
	v4 =	vadd.s32 v1, v4;
	_ =	sdelay $0x1  }
0x1a: {  	v3 =	vadd.s32 v1, v3;
	_ =	sdelay $0x2  }
0x1b: {  	[tilespmem:s8], [sflag:$0x1] =	stream.indirect_vreg.gather [hbm4b:s2+s3], $0x80, v4, vm0, $0xb8;
	[tilespmem:$0x8080] =	vst v63  }
0x1c: {  	_ = 	snop  }
0x1d: {  	[tilespmem:s9], [sflag:$0x1] =	stream.indirect_vreg.gather [hbm4b:s2+s3], $0x80, v3, vm0, $0xb8;
	[tilespmem:$0x8080] =	vst v63  }
0x1e: {  	v3 =	vld [tilespmem:$0x10];
	_ =	sdelay $0x4  }
0x1f: {  	v57 =	vshll.u32 v3, $0x1  }
0x20: {  	v3 =	vand.u32 $0x7, v3;
	v4 =	vand.u32 $0xFFFFFFF0, v57  }
0x21: {  	v3 =	vor.u32 v3, v4  }
0x22: {  	v4 =	vperm.xlane v3, v0;
	_ =	sdelay $0x1  }
0x23: {  	v3 =	vperm.xlane v3, v2;
	v4 =	vadd.s32 v1, v4;
	_ =	sdelay $0x1  }
0x24: {  	v3 =	vadd.s32 v1, v3;
	_ =	sdelay $0x2  }
0x25: {  	[tilespmem:s10], [sflag:$0x1] =	stream.indirect_vreg.gather [hbm4b:s2+s3], $0x80, v4, vm0, $0xb8;
	[tilespmem:$0x8080] =	vst v63  }
0x26: {  	_ = 	snop  }
0x27: {  	[tilespmem:s11], [sflag:$0x1] =	stream.indirect_vreg.gather [hbm4b:s2+s3], $0x80, v3, vm0, $0xb8;
	[tilespmem:$0x8080] =	vst v63  }
0x28: {  	v3 =	vld [tilespmem:$0x20];
	_ =	sdelay $0x4  }
0x29: {  	v58 =	vshll.u32 v3, $0x1  }
0x2a: {  	v3 =	vand.u32 $0x7, v3;
	v4 =	vand.u32 $0xFFFFFFF0, v58  }
0x2b: {  	v3 =	vor.u32 v3, v4  }
0x2c: {  	v4 =	vperm.xlane v3, v0;
	_ =	sdelay $0x1  }
0x2d: {  	v3 =	vperm.xlane v3, v2;
	v4 =	vadd.s32 v1, v4;
	_ =	sdelay $0x1  }
0x2e: {  	v3 =	vadd.s32 v1, v3;
	_ =	sdelay $0x2  }
0x2f: {  	[tilespmem:s12], [sflag:$0x1] =	stream.indirect_vreg.gather [hbm4b:s2+s3], $0x80, v4, vm0, $0xb8;
	[tilespmem:$0x8080] =	vst v63  }
0x30: {  	_ = 	snop  }
0x31: {  	[tilespmem:s13], [sflag:$0x1] =	stream.indirect_vreg.gather [hbm4b:s2+s3], $0x80, v3, vm0, $0xb8;
	[tilespmem:$0x8080] =	vst v63  }
0x32: {  	v3 =	vld [tilespmem:$0x30];
	_ =	sdelay $0x4  }
0x33: {  	v59 =	vshll.u32 v3, $0x1  }
0x34: {  	v3 =	vand.u32 $0x7, v3;
	v4 =	vand.u32 $0xFFFFFFF0, v59  }
0x35: {  	v3 =	vor.u32 v3, v4  }
0x36: {  	v4 =	vperm.xlane v3, v0;
	_ =	sdelay $0x1  }
0x37: {  	v3 =	vperm.xlane v3, v2;
	v4 =	vadd.s32 v1, v4;
	_ =	sdelay $0x1  }
0x38: {  	v3 =	vadd.s32 v1, v3;
	_ =	sdelay $0x2  }
0x39: {  	[tilespmem:s14], [sflag:$0x1] =	stream.indirect_vreg.gather [hbm4b:s2+s3], $0x80, v4, vm0, $0xb8;
	[tilespmem:$0x8080] =	vst v63  }
0x3a: {  	_ = 	snop  }
0x3b: {  	[tilespmem:s15], [sflag:$0x1] =	stream.indirect_vreg.gather [hbm4b:s2+s3], $0x80, v3, vm0, $0xb8;
	[tilespmem:$0x8080] =	vst v63  }
0x3c: {  	v3 =	vld [tilespmem:$0x40];
	_ =	sdelay $0x4  }
0x3d: {  	v60 =	vshll.u32 v3, $0x1  }
0x3e: {  	v3 =	vand.u32 $0x7, v3;
	v4 =	vand.u32 $0xFFFFFFF0, v60  }
0x3f: {  	v3 =	vor.u32 v3, v4  }
0x40: {  	v4 =	vperm.xlane v3, v0;
	_ =	sdelay $0x1  }
0x41: {  	v3 =	vperm.xlane v3, v2;
	v4 =	vadd.s32 v1, v4;
	_ =	sdelay $0x1  }
0x42: {  	v3 =	vadd.s32 v1, v3;
	_ =	sdelay $0x2  }
0x43: {  	[tilespmem:s16], [sflag:$0x1] =	stream.indirect_vreg.gather [hbm4b:s2+s3], $0x80, v4, vm0, $0xb8;
	[tilespmem:$0x8080] =	vst v63  }
0x44: {  	_ = 	snop  }
0x45: {  	[tilespmem:s17], [sflag:$0x1] =	stream.indirect_vreg.gather [hbm4b:s2+s3], $0x80, v3, vm0, $0xb8;
	[tilespmem:$0x8080] =	vst v63  }
0x46: {  	v3 =	vld [tilespmem:$0x50];
	_ =	sdelay $0x4  }
0x47: {  	v61 =	vshll.u32 v3, $0x1  }
0x48: {  	v3 =	vand.u32 $0x7, v3;
	v4 =	vand.u32 $0xFFFFFFF0, v61  }
0x49: {  	v3 =	vor.u32 v3, v4  }
0x4a: {  	v4 =	vperm.xlane v3, v0;
	_ =	sdelay $0x1  }
0x4b: {  	v3 =	vperm.xlane v3, v2;
	v4 =	vadd.s32 v1, v4;
	_ =	sdelay $0x1  }
0x4c: {  	v3 =	vadd.s32 v1, v3;
	_ =	sdelay $0x2  }
0x4d: {  	[tilespmem:s18], [sflag:$0x1] =	stream.indirect_vreg.gather [hbm4b:s2+s3], $0x80, v4, vm0, $0xb8;
	[tilespmem:$0x8080] =	vst v63  }
0x4e: {  	_ = 	snop  }
0x4f: {  	[tilespmem:s19], [sflag:$0x1] =	stream.indirect_vreg.gather [hbm4b:s2+s3], $0x80, v3, vm0, $0xb8;
	[tilespmem:$0x8080] =	vst v63  }
0x50: {  	v3 =	vld [tilespmem:$0x60];
	_ =	sdelay $0x4  }
0x51: {  	v62 =	vshll.u32 v3, $0x1  }
0x52: {  	v3 =	vand.u32 $0x7, v3;
	v4 =	vand.u32 $0xFFFFFFF0, v62  }
0x53: {  	v3 =	vor.u32 v3, v4  }
0x54: {  	v4 =	vperm.xlane v3, v0;
	_ =	sdelay $0x1  }
0x55: {  	v3 =	vperm.xlane v3, v2;
	v4 =	vadd.s32 v1, v4;
	_ =	sdelay $0x1  }
0x56: {  	v3 =	vadd.s32 v1, v3;
	_ =	sdelay $0x2  }
0x57: {  	[tilespmem:s20], [sflag:$0x1] =	stream.indirect_vreg.gather [hbm4b:s2+s3], $0x80, v4, vm0, $0xb8;
	[tilespmem:$0x8080] =	vst v63  }
0x58: {  	_ = 	snop  }
0x59: {  	[tilespmem:s21], [sflag:$0x1] =	stream.indirect_vreg.gather [hbm4b:s2+s3], $0x80, v3, vm0, $0xb8;
	[tilespmem:$0x8080] =	vst v63  }
0x5a: {  	v3 =	vld [tilespmem:$0x70];
	_ =	sdelay $0x4  }
0x5b: {  	v63 =	vshll.u32 v3, $0x1  }
0x5c: {  	v3 =	vand.u32 $0x7, v3;
	v4 =	vand.u32 $0xFFFFFFF0, v63  }
0x5d: {  	v3 =	vor.u32 v3, v4  }
0x5e: {  	v4 =	vperm.xlane v3, v0;
	_ =	sdelay $0x1  }
0x5f: {  	v3 =	vperm.xlane v3, v2;
	v4 =	vadd.s32 v1, v4;
	_ =	sdelay $0x1  }
0x60: {  	v3 =	vadd.s32 v1, v3;
	_ =	sdelay $0x2  }
0x61: {  	[tilespmem:s22], [sflag:$0x1] =	stream.indirect_vreg.gather [hbm4b:s2+s3], $0x80, v4, vm0, $0xb8;
	[tilespmem:$0x8080] =	vst v63  }
0x62: {  	_ = 	snop  }
0x63: {  	[tilespmem:s23], [sflag:$0x1] =	stream.indirect_vreg.gather [hbm4b:s2+s3], $0x80, v3, vm0, $0xb8;
	[tilespmem:$0x8080] =	vst v63  }
0x64: {  	_ =	swait.ge [sflag:s24], $0x8000  }
0x65: {  	p0 =	sne.s32 s6, $0x1;
	[sflag:s24] =	ssyncset.done $0x0  }
.Ltmp0:
0x66: {  	[sflag:s24] =	ssyncadd.s32 $0xFFFF8000;
	(pc) =	sbr.rel @p0 .LBB2_1-.Ltmp0, $4  }
0x67: {  	[hbm4b:s5+s3] =	stream.linear.scatter [tilespmem:s8], [sflag:$0x2], $0x8000, $0x38;
	[tilespmem:$0x8080] =	vst v63  }
0x68: {  	_ =	swait.ge [sflag:s7], $0x8000  }
0x69: {  	[sflag:s7] =	ssyncset.done $0x0  }
0x6a: {  	s6 =	sadd.s32 $0xFFFFFFFF, s6;
	[sflag:s7] =	ssyncadd.s32 $0xFFFF8000  }
0x6b: {  	_ =	sfence.sel $0x180000  }
0x6c: {  	[bflag:$0x0] =	sbarrier.arrive $0xFFFF  }
0x6d: {  	p0 =	sne.s32 s1, $0x0;
	_ =	strace $0x90000047  }
0x6e: {  	s0 =	sadd.s32 @!p0 $0x100000, s0;
	[bflag:$0x2] =	sbarrier.arrive $0xFFFF  }
0x6f: {  	[sflag:s0] =	ssyncadd.tile.s32 @!p0 $0x1;
	_ =	shalt  }
.Lfunc_end2:
_tile_overlayer_lowered:
.L_overlay_start_2:
0x70: {  	(tag) =	ssettag $0x2  }
0x71: {  	s0 =	rddreg [dreg:$0x0];
	s2 =	stileid.u32  }
0x72: {  	s1 =	rddreg [dreg:$0x1];
	p0 =	sne.s32 s2, $0x0  }
0x73: {  	s3 =	rddreg [dreg:$0x2];
	[bflag:$0x3] =	sbarrier.arrive $0xFFFF;
	s2 =	simm.s32 @!p0 $0x1C02  }
0x74: {  	[timem:s3], [sflag:s2] =	dma.local @!p0 [hbm:s0], s1  }
0x75: {  	s0 =	simm.s32 @!p0 $0x2  }
0x76: {  	_ =	swait.ge @!p0 [sflag:s0], s1  }
0x77: {  	s1 =	ssub.s32 @!p0 $0x0, s1;
	[sflag:s0] =	ssyncset.done @!p0 $0x0  }
0x78: {  	[sflag:s0] =	ssyncadd.s32 @!p0 s1  }
0x79: {  	[bflag:$0x3] =	sbarrier.arrive $0xFFFF  }
0x7a: {  	_ =	shalt  }

// kernel: kernel.14.cloned.1.call-start
scs
__scs_entry_jumppad:
0x0: {  	(pc) =	sbr.rel $0x88, $3  }
0x1: {  	(tag) =	ssettag $0x0;
	lr =	simm.s32 $0x1  }
0x2: {  	[smem:$0x3F9F] =	sst lr;
	_ =	strace $0xD0000000  }
0x3: {  	_ = 	snop  }
0x4: {  	_ = 	snop  }
0x5: {  	_ = 	snop  }
0x6: {  	_ = 	snop  }
0x7: {  	_ = 	snop  }
__scs_overlays_trampoline_lowered:
0x8: {  	[smem:$0x3FAE] =	sst s0  }
0x9: {  	[smem:$0x3FAF] =	sst s1  }
0xa: {  	[smem:$0x3FB0] =	sst s2  }
0xb: {  	[smem:$0x3FB1] =	sst s3  }
0xc: {  	[smem:$0x3FB2] =	sst s4  }
0xd: {  	[smem:$0x3FB3] =	sst s5  }
0xe: {  	[smem:$0x3FB4] =	sst s6  }
0xf: {  	[smem:$0x3FB5] =	sst s7  }
0x10: {  	[smem:$0x3FB6] =	sst s8  }
0x11: {  	[smem:$0x3FB7] =	sst s9;
	s0 =	simm.s32 @!p0 $0x0  }
0x12: {  	s1 =	sld [smem:$0x3F9D];
	s0 =	simm.s32 @p0 $0x1  }
0x13: {  	[smem:$0x3FB8] =	sst s0;
	s0 =	simm.s32 @!p1 $0x0  }
0x14: {  	s2 =	sld [smem:$0x3F9C];
	s0 =	simm.s32 @p1 $0x1  }
0x15: {  	[smem:$0x3FB9] =	sst s0;
	s0 =	simm.s32 @!p2 $0x0  }
0x16: {  	s3 =	sld [smem:$0x3FDB];
	s0 =	simm.s32 @p2 $0x1  }
0x17: {  	s4 =	simm.s32 $0x1BF5;
	[smem:$0x3FBB] =	sst s0  }
0x18: {  	s0 =	sld [smem:$0x3F9E];
	_ =	swait.ge [sflag:s4], $0x0  }
0x19: {  	s7 =	sld [smem:$0x3F9F]  }
0x1a: {  	s8 =	sadd.s32 $0xFFFFE003, lr  }
0x1b: {  	s9 =	sadd.s32 $0xFFFFFEF7, lr;
	s5 =	simm.s32 $0xFFFFFFFF;
	p2 =	slt.u32 s8, $0xFFFFF086  }
0x1c: {  	p1 =	slt.u32 s9, $0xF7A;
	s5 =	simm.s32 @!p2 $0x0  }
0x1d: {  	s5 =	simm.s32 @p1 $0x1;
	p0 =	seq.s32 s7, s2  }
0x1e: {  	s7 =	smul.u32 @!p0 $0xF7A, s2;
	p2 =	seq.s32 @!p0 s5, $0x0  }
0x1f: {  	s9 =	smul.u32 $0xF7A, s1;
	s8 =	simm.s32 @!p0 $0x1BF5;
	p2 =	por !p2, p0  }
0x20: {  	[sflag:s8] =	ssyncset.s32 @!p0 $0xFFFFF086;
	s6 =	sadd.s32 @!p0 s3, s7;
	s7 =	simm.s32 @!p0 $0x108  }
0x21: {  	s3 =	sadd.s32 s3, s9;
	s6 =	sadd.s32 @!p0 $0x88, s6;
	s7 =	simm.s32 @p2 $0x1082  }
0x22: {  	[simem:s7], [sflag:s8] =	dma.local @!p0 [hbm:s6], $0xF7A  }
0x23: {  	s9 =	sor.u32 $0xD0000000, s2;
	s6 =	simm.s32 $0x108;
	_ =	swait.ge @!p0 [sflag:s8], $0x0  }
0x24: {  	s3 =	sadd.s32 $0x88, s3;
	s6 =	simm.s32 @!p1 $0x1082;
	[sflag:s4] =	ssyncset.s32 $0xFFFFF086  }
0x25: {  	[simem:s6], [sflag:s4] =	dma.local [hbm:s3], $0xF7A  }
0x26: {  	[smem:$0x3F9F] =	sst s1;
	(tag) =	ssettag s2;
	_ =	strace s9  }
0x27: {  	s1 =	sld [smem:$0x3FAF]  }
0x28: {  	s2 =	sld [smem:$0x3FB0]  }
0x29: {  	s4 =	sld [smem:$0x3FB2]  }
0x2a: {  	p0 =	seq.s32 s5, $0x0;
	s5 =	sld [smem:$0x3FB3]  }
0x2b: {  	s6 =	sld [smem:$0x3FB4]  }
0x2c: {  	s7 =	sld [smem:$0x3FB5]  }
0x2d: {  	s3 =	simm.s32 $0x108;
	s8 =	sld [smem:$0x3FB6]  }
0x2e: {  	s3 =	simm.s32 @!p0 $0x1082;
	s9 =	sld [smem:$0x3FB7]  }
0x2f: {  	lr =	sadd.s32 s0, s3;
	s0 =	sld [smem:$0x3FAE]  }
0x30: {  	s3 =	sld [smem:$0x3FB1]  }
0x31: {  	[smem:$0x3FBA] =	sst s10  }
0x32: {  	s10 =	sld [smem:$0x3FB8];
	_ =	sdelay $0x3  }
0x33: {  	p0 =	seq.s32 s10, $0x1;
	s10 =	sld [smem:$0x3FBA];
	_ =	sdelay $0x3  }
0x34: {  	[smem:$0x3FBA] =	sst s10  }
0x35: {  	s10 =	sld [smem:$0x3FB9];
	_ =	sdelay $0x3  }
0x36: {  	p1 =	seq.s32 s10, $0x1;
	s10 =	sld [smem:$0x3FBA];
	_ =	sdelay $0x3  }
0x37: {  	[smem:$0x3FBA] =	sst s10  }
0x38: {  	s10 =	sld [smem:$0x3FBB]  }
0x39: {  	_ = 	snop;
	(pc) =	sbr.ind lr, $3  }
0x3a: {  	_ = 	snop  }
0x3b: {  	_ = 	snop  }
0x3c: {  	p2 =	seq.s32 s10, $0x1;
	s10 =	sld [smem:$0x3FBA]  }
0x3d: {  	_ =	shalt  }
0x3e: {  	_ =	shalt  }
0x3f: {  	_ =	shalt  }
0x40: {  	_ =	shalt  }
0x41: {  	_ =	shalt  }
0x42: {  	_ =	shalt  }
0x43: {  	_ =	shalt  }
0x44: {  	_ =	shalt  }
0x45: {  	_ =	shalt  }
0x46: {  	_ =	shalt  }
0x47: {  	_ =	shalt  }
0x48: {  	_ =	shalt  }
0x49: {  	_ =	shalt  }
0x4a: {  	_ =	shalt  }
0x4b: {  	_ =	shalt  }
0x4c: {  	_ =	shalt  }
0x4d: {  	_ =	shalt  }
0x4e: {  	_ =	shalt  }
0x4f: {  	_ =	shalt  }
0x50: {  	_ =	shalt  }
0x51: {  	_ =	shalt  }
0x52: {  	_ =	shalt  }
0x53: {  	_ =	shalt  }
0x54: {  	_ =	shalt  }
0x55: {  	_ =	shalt  }
0x56: {  	_ =	shalt  }
0x57: {  	_ =	shalt  }
0x58: {  	_ =	shalt  }
0x59: {  	_ =	shalt  }
0x5a: {  	_ =	shalt  }
0x5b: {  	_ =	shalt  }
0x5c: {  	_ =	shalt  }
0x5d: {  	_ =	shalt  }
0x5e: {  	_ =	shalt  }
0x5f: {  	_ =	shalt  }
0x60: {  	_ =	shalt  }
0x61: {  	_ =	shalt  }
0x62: {  	_ =	shalt  }
0x63: {  	_ =	shalt  }
0x64: {  	_ =	shalt  }
0x65: {  	_ =	shalt  }
0x66: {  	_ =	shalt  }
0x67: {  	_ =	shalt  }
0x68: {  	_ =	shalt  }
0x69: {  	_ =	shalt  }
0x6a: {  	_ =	shalt  }
0x6b: {  	_ =	shalt  }
0x6c: {  	_ =	shalt  }
0x6d: {  	_ =	shalt  }
0x6e: {  	_ =	shalt  }
0x6f: {  	_ =	shalt  }
0x70: {  	_ =	shalt  }
0x71: {  	_ =	shalt  }
0x72: {  	_ =	shalt  }
0x73: {  	_ =	shalt  }
0x74: {  	_ =	shalt  }
0x75: {  	_ =	shalt  }
0x76: {  	_ =	shalt  }
0x77: {  	_ =	shalt  }
0x78: {  	_ =	shalt  }
0x79: {  	_ =	shalt  }
0x7a: {  	_ =	shalt  }
0x7b: {  	_ =	shalt  }
0x7c: {  	_ =	shalt  }
0x7d: {  	_ =	shalt  }
0x7e: {  	_ =	shalt  }
0x7f: {  	_ =	shalt  }
0x80: {  	_ =	shalt  }
0x81: {  	_ =	shalt  }
0x82: {  	_ =	shalt  }
0x83: {  	_ =	shalt  }
0x84: {  	_ =	shalt  }
0x85: {  	_ =	shalt  }
0x86: {  	_ =	shalt  }
0x87: {  	_ =	shalt  }
.Lfunc_end0:
.L_simem_size_0:
called_computation.1_lowered:
.L_overlay_start_0:
0x88: {  	s2 =	sld [smem:$0x3FD9]  }
0x89: {  	s3 =	sld [smem:$0x3FFE];
	_ =	sdelay $0x1  }
0x8a: {  	s1 =	srdreg.scid  }
0x8b: {  	s0 =	sand.u32 $0x1, s1  }
0x8c: {  	s14 =	sshll.u32 s0, $0xA;
	s2 =	sadd.s32 s3, s2  }
0x8d: {  	s2 =	sadd.s32 s2, s14  }
0x8e: {  	[smem:$0x3FC6] =	sst s2  }
0x8f: {  	_ = 	snop  }
0x90: {  	s2 =	sld [smem:$0x3FD0];
	_ =	sdelay $0x2  }
0x91: {  	s4 =	simm.s32 $0xA;
	s5 =	simm.s32 $0x10;
	s15 =	sld [smem:$0x3FC8]  }
0x92: {  	[smem:s5], [sflag:s4] =	dma.local [hbm:s2], $0x1  }
0x93: {  	_ =	swait.eq [sflag:s4], $0x1  }
0x94: {  	[sflag:s4] =	ssyncset.done $0x0  }
0x95: {  	[sflag:s4] =	ssyncadd.s32 $0xFFFFFFFF  }
0x96: {  	s16 =	sld [smem:$0x10];
	(tm) =	ssettm $0x1  }
0x97: {  	s17 =	sld [smem:$0x3FFB];
	_ =	sdelay $0x3  }
0x98: {  	_ =	strace s17  }
0x99: {  	s4 =	sld [smem:$0x3FFC];
	_ =	sdelay $0x3  }
0x9a: {  	_ =	strace s4  }
0x9b: {  	s4 =	sld [smem:$0x3FFD];
	_ =	sdelay $0x3  }
0x9c: {  	_ =	strace s4  }
0x9d: {  	_ =	strace $0x8FFFFFFF  }
0x9e: {  	s18 =	sld [smem:$0x3FDB];
	_ =	sdelay $0x1  }
0x9f: {  	s19 =	simm.s32 $_scs_section_size  }
0xa0: {  	s6 =	simm.s32 $_size__tile_overlayer_lowered;
	s7 =	simm.s32 $_tile_overlayer_lowered  }
0xa1: {  	s22 =	simm.s32 $0x1BFF;
	s21 =	sshll.u32 s7, $0x1;
	s4 =	sadd.s32 s19, s18  }
0xa2: {  	s8 =	simm.s32 $0x0;
	s20 =	sshll.u32 s6, $0x1;
	s6 =	sadd.s32 s21, s4  }
0xa3: {  	[timem:s8], [sflag:s22] =	dma.local [hbm:s6], s20  }
0xa4: {  	_ =	swait.ge [sflag:s22], s20  }
0xa5: {  	s5 =	ssub.s32 $0x0, s20;
	[sflag:s22] =	ssyncset.done $0x0  }
0xa6: {  	[sflag:s22] =	ssyncadd.s32 s5;
	_ =	sdelay $0x1  }
0xa7: {  	s23 =	simm.s32 $0x1B8B  }
0xa8: {  	_ =	swait.ge [sflag:s23], $0x1  }
0xa9: {  	[sflag:s23] =	ssyncset.done $0x0  }
0xaa: {  	s25 =	simm.s32 $0x1B8E;
	s24 =	sld [smem:$0x3FFE];
	[sflag:s23] =	ssyncadd.s32 $0xFFFFFFFF  }
0xab: {  	s26 =	simm.s32 $execute0_lowered;
	[smem:$0x3FD2] =	sst s25  }
0xac: {  	s6 =	sshll.u32 s26, $0x1;
	_ =	strace $0x80000049;
	[dreg:$0x1] =	wrdreg $0xFFFFFFFF  }
0xad: {  	s28 =	simm.s32 $_size_execute0_lowered;
	s4 =	sadd.s32 s4, s6;
	[dreg:$0x0] =	wrdreg $0x0  }
0xae: {  	s6 =	sshll.u32 s28, $0x1;
	[dreg:$0x2] =	wrdreg s4  }
0xaf: {  	[dreg:$0x3] =	wrdreg s6  }
0xb0: {  	[dreg:$0x4] =	wrdreg $0xC0  }
0xb1: {  	_ =	task [dreg:s8], $0x5FFFF  }
0xb2: {  	[dreg:$0x1] =	wrdreg $0xFFFFFFFF  }
0xb3: {  	[dreg:$0x0] =	wrdreg $0x60  }
0xb4: {  	[dreg:$0x2] =	wrdreg s24  }
0xb5: {  	[dreg:$0x3] =	wrdreg s15  }
0xb6: {  	[dreg:$0x4] =	wrdreg s16  }
0xb7: {  	[dreg:$0x5] =	wrdreg $0x9  }
0xb8: {  	_ =	task.clear_ibuf [dreg:s8], $0x6FFFF;
	_ =	strace $0x90000049  }
0xb9: {  	s29 =	simm.s32 $0x9;
	_ =	strace $0x8000004B  }
0xba: {  	_ =	swait.ge [sflag:s29], $0x1  }
0xbb: {  	[sflag:s29] =	ssyncadd.s32 $0xFFFFFFFF  }
0xbc: {  	_ =	strace $0x9000004B  }
0xbd: {  	_ =	sfence  }
0xbe: {  	s30 =	sld [smem:$0x0];
	_ =	sdelay $0x2  }
0xbf: {  	s31 =	sshll.u32 s1, $0xD;
	s1 =	sshrl.u32 s1, $0x2  }
0xc0: {  	s3 =	sand.u32 $0x4000, s31;
	s1 =	sadd.s32 s1, s30  }
0xc1: {  	s0 =	sor.u32 s3, s0;
	s1 =	sshll.u32 s1, $0x11  }
0xc2: {  	s0 =	sor.u32 s1, s0  }
0xc3: {  	s0 =	sadd.s32 $0x8F2B, s0  }
0xc4: {  	[sflag:s0] =	ssyncadd.remote.s32 $0x1  }
0xc5: {  	_ =	sfence.sel $0xFFFF  }
0xc6: {  	[dreg:$0x0] =	wrdreg $0xFFFFFFFF;
	(pc) =	sbr.abs _section_cstart, $3  }
0xc7: {  	[dreg:$0x1] =	wrdreg $0xFFFFFFFF  }
0xc8: {  	_ =	task.clear_ibuf [dreg:s8], $0x2FFFF;
	_ =	strace $0x9FFFFFFF  }
0xc9: {  	(tm) =	ssettm $0x7FFFFFFF  }
tec
execute0_lowered:
.L_overlay_start_1:
0x0: {  	(tag) =	ssettag $0x1  }
0x1: {  	s4 =	rddreg [dreg:$0x0]  }
0x2: {  	s1 =	rddreg [dreg:$0x1]  }
0x3: {  	s5 =	rddreg [dreg:$0x2]  }
0x4: {  	s0 =	rddreg [dreg:$0x3];
	s6 =	srdreg.scid  }
0x5: {  	s3 =	simm.s32 $0x0;
	s2 =	stileid.u32;
	s10 =	simm.s32 $0x1080  }
0x6: {  	s11 =	simm.s32 $0x1880;
	s12 =	simm.s32 $0x2080;
	s13 =	simm.s32 $0x2880  }
0x7: {  	s14 =	simm.s32 $0x3080;
	s15 =	simm.s32 $0x3880;
	s16 =	simm.s32 $0x4080  }
0x8: {  	s17 =	simm.s32 $0x4880;
	s18 =	simm.s32 $0x5080;
	s19 =	simm.s32 $0x5880  }
0x9: {  	s20 =	simm.s32 $0x6080;
	s21 =	simm.s32 $0x6880;
	s22 =	simm.s32 $0x7080  }
0xa: {  	s23 =	simm.s32 $0x7880;
	s24 =	simm.s32 $0x1;
	s6 =	sand.u32 $0x1, s6  }
0xb: {  	[smem:$0x7FF] =	sst s3;
	s7 =	sshll.u32 s2, $0x8;
	s8 =	sshll.u32 s6, $0x7  }
0xc: {  	_ =	strace $0x8000004A;
	s6 =	ssub.s32 $0x2, s6;
	s7 =	sor.u32 s8, s7  }
0xd: {  	s9 =	sshrl.u32 s6, $0x1;
	s8 =	sshrl.u32 s7, $0x3;
	s7 =	sshll.u32 s7, $0x5  }
0xe: {  	v2 =	vlaneseq.u32;
	s6 =	ssub.s32 s6, s9;
	s9 =	simm.s32 $0x880;
	s4 =	sadd.s32 s8, s4  }
0xf: {  	vm0 =	vmmov $0xffff;
	v1 =	vshrl.u32 v2, $0x3;
	s5 =	sadd.s32 s7, s5;
	s6 =	smax.u32 s6, $0x1;
	s7 =	simm.s32 $0x2  }
0x10: {  	v0 =	vand.u32 $0x7, v2;
	v2 =	vor.u32 $0x8, v2;
	v1 =	vmul.u32 $0x8, v1;
	s8 =	simm.s32 $0x80;
	s4 =	sadd.s32 $0x3000, s4;
	s5 =	sadd.s32 $0x20000, s5  }
.LBB2_1:
0x11: {  	[tilespmem:s3], [sflag:$0x2] =	stream.linear.gather [hbm4b:s4+s3], $0x80, $0x38;
	[tilespmem:$0x8080] =	vst v63  }
0x12: {  	_ =	swait.ge [sflag:s7], $0x80  }
0x13: {  	[sflag:s7] =	ssyncset.done $0x0  }
0x14: {  	[sflag:s7] =	ssyncadd.s32 $0xFFFFFF80  }
0x15: {  	v3 =	vld [tilespmem:$0x0];
	_ =	sdelay $0x4  }
0x16: {  	v4 =	vshll.u32 v3, $0x1  }
0x17: {  	v3 =	vand.u32 $0x7, v3;
	v4 =	vand.u32 $0xFFFFFFF0, v4  }
0x18: {  	v3 =	vor.u32 v3, v4  }
0x19: {  	v4 =	vperm.xlane v3, v0;
	_ =	sdelay $0x1  }
0x1a: {  	v3 =	vperm.xlane v3, v2;
	v4 =	vadd.s32 v1, v4;
	_ =	sdelay $0x1  }
0x1b: {  	v3 =	vadd.s32 v1, v3;
	_ =	sdelay $0x2  }
0x1c: {  	[tilespmem:s8], [sflag:$0x1] =	stream.indirect_vreg.gather [hbm4b:s1+s3], $0x80, v4, vm0, $0xb8;
	[tilespmem:$0x8080] =	vst v63  }
0x1d: {  	_ = 	snop  }
0x1e: {  	[tilespmem:s9], [sflag:$0x1] =	stream.indirect_vreg.gather [hbm4b:s1+s3], $0x80, v3, vm0, $0xb8;
	[tilespmem:$0x8080] =	vst v63  }
0x1f: {  	v3 =	vld [tilespmem:$0x10];
	_ =	sdelay $0x4  }
0x20: {  	v57 =	vshll.u32 v3, $0x1  }
0x21: {  	v3 =	vand.u32 $0x7, v3;
	v4 =	vand.u32 $0xFFFFFFF0, v57  }
0x22: {  	v3 =	vor.u32 v3, v4  }
0x23: {  	v4 =	vperm.xlane v3, v0;
	_ =	sdelay $0x1  }
0x24: {  	v3 =	vperm.xlane v3, v2;
	v4 =	vadd.s32 v1, v4;
	_ =	sdelay $0x1  }
0x25: {  	v3 =	vadd.s32 v1, v3;
	_ =	sdelay $0x2  }
0x26: {  	[tilespmem:s10], [sflag:$0x1] =	stream.indirect_vreg.gather [hbm4b:s1+s3], $0x80, v4, vm0, $0xb8;
	[tilespmem:$0x8080] =	vst v63  }
0x27: {  	_ = 	snop  }
0x28: {  	[tilespmem:s11], [sflag:$0x1] =	stream.indirect_vreg.gather [hbm4b:s1+s3], $0x80, v3, vm0, $0xb8;
	[tilespmem:$0x8080] =	vst v63  }
0x29: {  	v3 =	vld [tilespmem:$0x20];
	_ =	sdelay $0x4  }
0x2a: {  	v58 =	vshll.u32 v3, $0x1  }
0x2b: {  	v3 =	vand.u32 $0x7, v3;
	v4 =	vand.u32 $0xFFFFFFF0, v58  }
0x2c: {  	v3 =	vor.u32 v3, v4  }
0x2d: {  	v4 =	vperm.xlane v3, v0;
	_ =	sdelay $0x1  }
0x2e: {  	v3 =	vperm.xlane v3, v2;
	v4 =	vadd.s32 v1, v4;
	_ =	sdelay $0x1  }
0x2f: {  	v3 =	vadd.s32 v1, v3;
	_ =	sdelay $0x2  }
0x30: {  	[tilespmem:s12], [sflag:$0x1] =	stream.indirect_vreg.gather [hbm4b:s1+s3], $0x80, v4, vm0, $0xb8;
	[tilespmem:$0x8080] =	vst v63  }
0x31: {  	_ = 	snop  }
0x32: {  	[tilespmem:s13], [sflag:$0x1] =	stream.indirect_vreg.gather [hbm4b:s1+s3], $0x80, v3, vm0, $0xb8;
	[tilespmem:$0x8080] =	vst v63  }
0x33: {  	v3 =	vld [tilespmem:$0x30];
	_ =	sdelay $0x4  }
0x34: {  	v59 =	vshll.u32 v3, $0x1  }
0x35: {  	v3 =	vand.u32 $0x7, v3;
	v4 =	vand.u32 $0xFFFFFFF0, v59  }
0x36: {  	v3 =	vor.u32 v3, v4  }
0x37: {  	v4 =	vperm.xlane v3, v0;
	_ =	sdelay $0x1  }
0x38: {  	v3 =	vperm.xlane v3, v2;
	v4 =	vadd.s32 v1, v4;
	_ =	sdelay $0x1  }
0x39: {  	v3 =	vadd.s32 v1, v3;
	_ =	sdelay $0x2  }
0x3a: {  	[tilespmem:s14], [sflag:$0x1] =	stream.indirect_vreg.gather [hbm4b:s1+s3], $0x80, v4, vm0, $0xb8;
	[tilespmem:$0x8080] =	vst v63  }
0x3b: {  	_ = 	snop  }
0x3c: {  	[tilespmem:s15], [sflag:$0x1] =	stream.indirect_vreg.gather [hbm4b:s1+s3], $0x80, v3, vm0, $0xb8;
	[tilespmem:$0x8080] =	vst v63  }
0x3d: {  	v3 =	vld [tilespmem:$0x40];
	_ =	sdelay $0x4  }
0x3e: {  	v60 =	vshll.u32 v3, $0x1  }
0x3f: {  	v3 =	vand.u32 $0x7, v3;
	v4 =	vand.u32 $0xFFFFFFF0, v60  }
0x40: {  	v3 =	vor.u32 v3, v4  }
0x41: {  	v4 =	vperm.xlane v3, v0;
	_ =	sdelay $0x1  }
0x42: {  	v3 =	vperm.xlane v3, v2;
	v4 =	vadd.s32 v1, v4;
	_ =	sdelay $0x1  }
0x43: {  	v3 =	vadd.s32 v1, v3;
	_ =	sdelay $0x2  }
0x44: {  	[tilespmem:s16], [sflag:$0x1] =	stream.indirect_vreg.gather [hbm4b:s1+s3], $0x80, v4, vm0, $0xb8;
	[tilespmem:$0x8080] =	vst v63  }
0x45: {  	_ = 	snop  }
0x46: {  	[tilespmem:s17], [sflag:$0x1] =	stream.indirect_vreg.gather [hbm4b:s1+s3], $0x80, v3, vm0, $0xb8;
	[tilespmem:$0x8080] =	vst v63  }
0x47: {  	v3 =	vld [tilespmem:$0x50];
	_ =	sdelay $0x4  }
0x48: {  	v61 =	vshll.u32 v3, $0x1  }
0x49: {  	v3 =	vand.u32 $0x7, v3;
	v4 =	vand.u32 $0xFFFFFFF0, v61  }
0x4a: {  	v3 =	vor.u32 v3, v4  }
0x4b: {  	v4 =	vperm.xlane v3, v0;
	_ =	sdelay $0x1  }
0x4c: {  	v3 =	vperm.xlane v3, v2;
	v4 =	vadd.s32 v1, v4;
	_ =	sdelay $0x1  }
0x4d: {  	v3 =	vadd.s32 v1, v3;
	_ =	sdelay $0x2  }
0x4e: {  	[tilespmem:s18], [sflag:$0x1] =	stream.indirect_vreg.gather [hbm4b:s1+s3], $0x80, v4, vm0, $0xb8;
	[tilespmem:$0x8080] =	vst v63  }
0x4f: {  	_ = 	snop  }
0x50: {  	[tilespmem:s19], [sflag:$0x1] =	stream.indirect_vreg.gather [hbm4b:s1+s3], $0x80, v3, vm0, $0xb8;
	[tilespmem:$0x8080] =	vst v63  }
0x51: {  	v3 =	vld [tilespmem:$0x60];
	_ =	sdelay $0x4  }
0x52: {  	v62 =	vshll.u32 v3, $0x1  }
0x53: {  	v3 =	vand.u32 $0x7, v3;
	v4 =	vand.u32 $0xFFFFFFF0, v62  }
0x54: {  	v3 =	vor.u32 v3, v4  }
0x55: {  	v4 =	vperm.xlane v3, v0;
	_ =	sdelay $0x1  }
0x56: {  	v3 =	vperm.xlane v3, v2;
	v4 =	vadd.s32 v1, v4;
	_ =	sdelay $0x1  }
0x57: {  	v3 =	vadd.s32 v1, v3;
	_ =	sdelay $0x2  }
0x58: {  	[tilespmem:s20], [sflag:$0x1] =	stream.indirect_vreg.gather [hbm4b:s1+s3], $0x80, v4, vm0, $0xb8;
	[tilespmem:$0x8080] =	vst v63  }
0x59: {  	_ = 	snop  }
0x5a: {  	[tilespmem:s21], [sflag:$0x1] =	stream.indirect_vreg.gather [hbm4b:s1+s3], $0x80, v3, vm0, $0xb8;
	[tilespmem:$0x8080] =	vst v63  }
0x5b: {  	v3 =	vld [tilespmem:$0x70];
	_ =	sdelay $0x4  }
0x5c: {  	v63 =	vshll.u32 v3, $0x1  }
0x5d: {  	v3 =	vand.u32 $0x7, v3;
	v4 =	vand.u32 $0xFFFFFFF0, v63  }
0x5e: {  	v3 =	vor.u32 v3, v4  }
0x5f: {  	v4 =	vperm.xlane v3, v0;
	_ =	sdelay $0x1  }
0x60: {  	v3 =	vperm.xlane v3, v2;
	v4 =	vadd.s32 v1, v4;
	_ =	sdelay $0x1  }
0x61: {  	v3 =	vadd.s32 v1, v3;
	_ =	sdelay $0x2  }
0x62: {  	[tilespmem:s22], [sflag:$0x1] =	stream.indirect_vreg.gather [hbm4b:s1+s3], $0x80, v4, vm0, $0xb8;
	[tilespmem:$0x8080] =	vst v63  }
0x63: {  	_ = 	snop  }
0x64: {  	[tilespmem:s23], [sflag:$0x1] =	stream.indirect_vreg.gather [hbm4b:s1+s3], $0x80, v3, vm0, $0xb8;
	[tilespmem:$0x8080] =	vst v63  }
0x65: {  	_ =	swait.ge [sflag:s24], $0x8000  }
0x66: {  	p0 =	sne.s32 s6, $0x1;
	[sflag:s24] =	ssyncset.done $0x0  }
.Ltmp0:
0x67: {  	[sflag:s24] =	ssyncadd.s32 $0xFFFF8000;
	(pc) =	sbr.rel @p0 .LBB2_1-.Ltmp0, $4  }
0x68: {  	[hbm4b:s5+s3] =	stream.linear.scatter [tilespmem:s8], [sflag:$0x2], $0x8000, $0x38;
	[tilespmem:$0x8080] =	vst v63  }
0x69: {  	_ =	swait.ge [sflag:s7], $0x8000  }
0x6a: {  	[sflag:s7] =	ssyncset.done $0x0  }
0x6b: {  	s6 =	sadd.s32 $0xFFFFFFFF, s6;
	[sflag:s7] =	ssyncadd.s32 $0xFFFF8000  }
0x6c: {  	_ =	sfence.sel $0x180000  }
0x6d: {  	[bflag:$0x0] =	sbarrier.arrive $0xFFFF  }
0x6e: {  	p0 =	sne.s32 s2, $0x0;
	_ =	strace $0x9000004A  }
0x6f: {  	s0 =	sadd.s32 @!p0 $0x100000, s0;
	[bflag:$0x2] =	sbarrier.arrive $0xFFFF  }
0x70: {  	[sflag:s0] =	ssyncadd.tile.s32 @!p0 $0x1;
	_ =	shalt  }
.Lfunc_end2:
_tile_overlayer_lowered:
.L_overlay_start_2:
0x71: {  	(tag) =	ssettag $0x2  }
0x72: {  	s0 =	rddreg [dreg:$0x0];
	s2 =	stileid.u32  }
0x73: {  	s1 =	rddreg [dreg:$0x1];
	p0 =	sne.s32 s2, $0x0  }
0x74: {  	s3 =	rddreg [dreg:$0x2];
	[bflag:$0x3] =	sbarrier.arrive $0xFFFF;
	s2 =	simm.s32 @!p0 $0x1C02  }
0x75: {  	[timem:s3], [sflag:s2] =	dma.local @!p0 [hbm:s0], s1  }
0x76: {  	s0 =	simm.s32 @!p0 $0x2  }
0x77: {  	_ =	swait.ge @!p0 [sflag:s0], s1  }
0x78: {  	s1 =	ssub.s32 @!p0 $0x0, s1;
	[sflag:s0] =	ssyncset.done @!p0 $0x0  }
0x79: {  	[sflag:s0] =	ssyncadd.s32 @!p0 s1  }
0x7a: {  	[bflag:$0x3] =	sbarrier.arrive $0xFFFF  }
0x7b: {  	_ =	shalt  }

// kernel: kernel.17.cloned.1.call-start
scs
__scs_entry_jumppad:
0x0: {  	(pc) =	sbr.rel $0x88, $3  }
0x1: {  	(tag) =	ssettag $0x0;
	lr =	simm.s32 $0x1  }
0x2: {  	[smem:$0x3F9F] =	sst lr;
	_ =	strace $0xD0000000  }
0x3: {  	_ = 	snop  }
0x4: {  	_ = 	snop  }
0x5: {  	_ = 	snop  }
0x6: {  	_ = 	snop  }
0x7: {  	_ = 	snop  }
__scs_overlays_trampoline_lowered:
0x8: {  	[smem:$0x3FAE] =	sst s0  }
0x9: {  	[smem:$0x3FAF] =	sst s1  }
0xa: {  	[smem:$0x3FB0] =	sst s2  }
0xb: {  	[smem:$0x3FB1] =	sst s3  }
0xc: {  	[smem:$0x3FB2] =	sst s4  }
0xd: {  	[smem:$0x3FB3] =	sst s5  }
0xe: {  	[smem:$0x3FB4] =	sst s6  }
0xf: {  	[smem:$0x3FB5] =	sst s7  }
0x10: {  	[smem:$0x3FB6] =	sst s8  }
0x11: {  	[smem:$0x3FB7] =	sst s9;
	s0 =	simm.s32 @!p0 $0x0  }
0x12: {  	s1 =	sld [smem:$0x3F9D];
	s0 =	simm.s32 @p0 $0x1  }
0x13: {  	[smem:$0x3FB8] =	sst s0;
	s0 =	simm.s32 @!p1 $0x0  }
0x14: {  	s2 =	sld [smem:$0x3F9C];
	s0 =	simm.s32 @p1 $0x1  }
0x15: {  	[smem:$0x3FB9] =	sst s0;
	s0 =	simm.s32 @!p2 $0x0  }
0x16: {  	s3 =	sld [smem:$0x3FDB];
	s0 =	simm.s32 @p2 $0x1  }
0x17: {  	s4 =	simm.s32 $0x1BF5;
	[smem:$0x3FBB] =	sst s0  }
0x18: {  	s0 =	sld [smem:$0x3F9E];
	_ =	swait.ge [sflag:s4], $0x0  }
0x19: {  	s7 =	sld [smem:$0x3F9F]  }
0x1a: {  	s8 =	sadd.s32 $0xFFFFE003, lr  }
0x1b: {  	s9 =	sadd.s32 $0xFFFFFEF7, lr;
	s5 =	simm.s32 $0xFFFFFFFF;
	p2 =	slt.u32 s8, $0xFFFFF086  }
0x1c: {  	p1 =	slt.u32 s9, $0xF7A;
	s5 =	simm.s32 @!p2 $0x0  }
0x1d: {  	s5 =	simm.s32 @p1 $0x1;
	p0 =	seq.s32 s7, s2  }
0x1e: {  	s7 =	smul.u32 @!p0 $0xF7A, s2;
	p2 =	seq.s32 @!p0 s5, $0x0  }
0x1f: {  	s9 =	smul.u32 $0xF7A, s1;
	s8 =	simm.s32 @!p0 $0x1BF5;
	p2 =	por !p2, p0  }
0x20: {  	[sflag:s8] =	ssyncset.s32 @!p0 $0xFFFFF086;
	s6 =	sadd.s32 @!p0 s3, s7;
	s7 =	simm.s32 @!p0 $0x108  }
0x21: {  	s3 =	sadd.s32 s3, s9;
	s6 =	sadd.s32 @!p0 $0x88, s6;
	s7 =	simm.s32 @p2 $0x1082  }
0x22: {  	[simem:s7], [sflag:s8] =	dma.local @!p0 [hbm:s6], $0xF7A  }
0x23: {  	s9 =	sor.u32 $0xD0000000, s2;
	s6 =	simm.s32 $0x108;
	_ =	swait.ge @!p0 [sflag:s8], $0x0  }
0x24: {  	s3 =	sadd.s32 $0x88, s3;
	s6 =	simm.s32 @!p1 $0x1082;
	[sflag:s4] =	ssyncset.s32 $0xFFFFF086  }
0x25: {  	[simem:s6], [sflag:s4] =	dma.local [hbm:s3], $0xF7A  }
0x26: {  	[smem:$0x3F9F] =	sst s1;
	(tag) =	ssettag s2;
	_ =	strace s9  }
0x27: {  	s1 =	sld [smem:$0x3FAF]  }
0x28: {  	s2 =	sld [smem:$0x3FB0]  }
0x29: {  	s4 =	sld [smem:$0x3FB2]  }
0x2a: {  	p0 =	seq.s32 s5, $0x0;
	s5 =	sld [smem:$0x3FB3]  }
0x2b: {  	s6 =	sld [smem:$0x3FB4]  }
0x2c: {  	s7 =	sld [smem:$0x3FB5]  }
0x2d: {  	s3 =	simm.s32 $0x108;
	s8 =	sld [smem:$0x3FB6]  }
0x2e: {  	s3 =	simm.s32 @!p0 $0x1082;
	s9 =	sld [smem:$0x3FB7]  }
0x2f: {  	lr =	sadd.s32 s0, s3;
	s0 =	sld [smem:$0x3FAE]  }
0x30: {  	s3 =	sld [smem:$0x3FB1]  }
0x31: {  	[smem:$0x3FBA] =	sst s10  }
0x32: {  	s10 =	sld [smem:$0x3FB8];
	_ =	sdelay $0x3  }
0x33: {  	p0 =	seq.s32 s10, $0x1;
	s10 =	sld [smem:$0x3FBA];
	_ =	sdelay $0x3  }
0x34: {  	[smem:$0x3FBA] =	sst s10  }
0x35: {  	s10 =	sld [smem:$0x3FB9];
	_ =	sdelay $0x3  }
0x36: {  	p1 =	seq.s32 s10, $0x1;
	s10 =	sld [smem:$0x3FBA];
	_ =	sdelay $0x3  }
0x37: {  	[smem:$0x3FBA] =	sst s10  }
0x38: {  	s10 =	sld [smem:$0x3FBB]  }
0x39: {  	_ = 	snop;
	(pc) =	sbr.ind lr, $3  }
0x3a: {  	_ = 	snop  }
0x3b: {  	_ = 	snop  }
0x3c: {  	p2 =	seq.s32 s10, $0x1;
	s10 =	sld [smem:$0x3FBA]  }
0x3d: {  	_ =	shalt  }
0x3e: {  	_ =	shalt  }
0x3f: {  	_ =	shalt  }
0x40: {  	_ =	shalt  }
0x41: {  	_ =	shalt  }
0x42: {  	_ =	shalt  }
0x43: {  	_ =	shalt  }
0x44: {  	_ =	shalt  }
0x45: {  	_ =	shalt  }
0x46: {  	_ =	shalt  }
0x47: {  	_ =	shalt  }
0x48: {  	_ =	shalt  }
0x49: {  	_ =	shalt  }
0x4a: {  	_ =	shalt  }
0x4b: {  	_ =	shalt  }
0x4c: {  	_ =	shalt  }
0x4d: {  	_ =	shalt  }
0x4e: {  	_ =	shalt  }
0x4f: {  	_ =	shalt  }
0x50: {  	_ =	shalt  }
0x51: {  	_ =	shalt  }
0x52: {  	_ =	shalt  }
0x53: {  	_ =	shalt  }
0x54: {  	_ =	shalt  }
0x55: {  	_ =	shalt  }
0x56: {  	_ =	shalt  }
0x57: {  	_ =	shalt  }
0x58: {  	_ =	shalt  }
0x59: {  	_ =	shalt  }
0x5a: {  	_ =	shalt  }
0x5b: {  	_ =	shalt  }
0x5c: {  	_ =	shalt  }
0x5d: {  	_ =	shalt  }
0x5e: {  	_ =	shalt  }
0x5f: {  	_ =	shalt  }
0x60: {  	_ =	shalt  }
0x61: {  	_ =	shalt  }
0x62: {  	_ =	shalt  }
0x63: {  	_ =	shalt  }
0x64: {  	_ =	shalt  }
0x65: {  	_ =	shalt  }
0x66: {  	_ =	shalt  }
0x67: {  	_ =	shalt  }
0x68: {  	_ =	shalt  }
0x69: {  	_ =	shalt  }
0x6a: {  	_ =	shalt  }
0x6b: {  	_ =	shalt  }
0x6c: {  	_ =	shalt  }
0x6d: {  	_ =	shalt  }
0x6e: {  	_ =	shalt  }
0x6f: {  	_ =	shalt  }
0x70: {  	_ =	shalt  }
0x71: {  	_ =	shalt  }
0x72: {  	_ =	shalt  }
0x73: {  	_ =	shalt  }
0x74: {  	_ =	shalt  }
0x75: {  	_ =	shalt  }
0x76: {  	_ =	shalt  }
0x77: {  	_ =	shalt  }
0x78: {  	_ =	shalt  }
0x79: {  	_ =	shalt  }
0x7a: {  	_ =	shalt  }
0x7b: {  	_ =	shalt  }
0x7c: {  	_ =	shalt  }
0x7d: {  	_ =	shalt  }
0x7e: {  	_ =	shalt  }
0x7f: {  	_ =	shalt  }
0x80: {  	_ =	shalt  }
0x81: {  	_ =	shalt  }
0x82: {  	_ =	shalt  }
0x83: {  	_ =	shalt  }
0x84: {  	_ =	shalt  }
0x85: {  	_ =	shalt  }
0x86: {  	_ =	shalt  }
0x87: {  	_ =	shalt  }
.Lfunc_end0:
.L_simem_size_0:
called_computation.2_lowered:
.L_overlay_start_0:
0x88: {  	s2 =	sld [smem:$0x3FD9]  }
0x89: {  	s3 =	sld [smem:$0x3FFE];
	_ =	sdelay $0x1  }
0x8a: {  	s1 =	srdreg.scid  }
0x8b: {  	s0 =	sand.u32 $0x1, s1  }
0x8c: {  	s15 =	sshll.u32 s0, $0xA;
	s2 =	sadd.s32 s3, s2  }
0x8d: {  	s2 =	sadd.s32 s2, s15  }
0x8e: {  	[smem:$0x3FC6] =	sst s2  }
0x8f: {  	_ = 	snop  }
0x90: {  	s2 =	sld [smem:$0x3FD0];
	_ =	sdelay $0x2  }
0x91: {  	s4 =	simm.s32 $0xA;
	s5 =	simm.s32 $0x10;
	s16 =	sld [smem:$0x3FC8]  }
0x92: {  	[smem:s5], [sflag:s4] =	dma.local [hbm:s2], $0x1  }
0x93: {  	_ =	swait.eq [sflag:s4], $0x1  }
0x94: {  	[sflag:s4] =	ssyncset.done $0x0  }
0x95: {  	s17 =	sld [smem:$0x10];
	[sflag:s4] =	ssyncadd.s32 $0xFFFFFFFF  }
0x96: {  	s18 =	sld [smem:$0x11];
	(tm) =	ssettm $0x1  }
0x97: {  	s19 =	sld [smem:$0x3FFB];
	_ =	sdelay $0x3  }
0x98: {  	_ =	strace s19  }
0x99: {  	s5 =	sld [smem:$0x3FFC];
	_ =	sdelay $0x3  }
0x9a: {  	_ =	strace s5  }
0x9b: {  	s5 =	sld [smem:$0x3FFD];
	_ =	sdelay $0x3  }
0x9c: {  	_ =	strace s5  }
0x9d: {  	_ =	strace $0x8FFFFFFF  }
0x9e: {  	s20 =	sld [smem:$0x3FDB];
	_ =	sdelay $0x1  }
0x9f: {  	s6 =	simm.s32 $_scs_section_size  }
0xa0: {  	s7 =	simm.s32 $_size__tile_overlayer_lowered;
	s8 =	simm.s32 $_tile_overlayer_lowered  }
0xa1: {  	s23 =	simm.s32 $0x1BFF;
	s22 =	sshll.u32 s8, $0x1;
	s5 =	sadd.s32 s6, s20  }
0xa2: {  	s9 =	simm.s32 $0x0;
	s21 =	sshll.u32 s7, $0x1;
	s7 =	sadd.s32 s22, s5  }
0xa3: {  	[timem:s9], [sflag:s23] =	dma.local [hbm:s7], s21  }
0xa4: {  	_ =	swait.ge [sflag:s23], s21  }
0xa5: {  	s6 =	ssub.s32 $0x0, s21;
	[sflag:s23] =	ssyncset.done $0x0  }
0xa6: {  	[sflag:s23] =	ssyncadd.s32 s6;
	_ =	sdelay $0x1  }
0xa7: {  	s24 =	simm.s32 $0x1B8B  }
0xa8: {  	_ =	swait.ge [sflag:s24], $0x1  }
0xa9: {  	[sflag:s24] =	ssyncset.done $0x0  }
0xaa: {  	s25 =	simm.s32 $0x1B8E;
	[sflag:s24] =	ssyncadd.s32 $0xFFFFFFFF  }
0xab: {  	s26 =	simm.s32 $execute0_lowered;
	[smem:$0x3FD2] =	sst s25  }
0xac: {  	s6 =	sshll.u32 s26, $0x1;
	_ =	strace $0x8000004C;
	[dreg:$0x1] =	wrdreg $0xFFFFFFFF  }
0xad: {  	s28 =	simm.s32 $_size_execute0_lowered;
	s5 =	sadd.s32 s5, s6;
	[dreg:$0x0] =	wrdreg $0x0  }
0xae: {  	s6 =	sshll.u32 s28, $0x1;
	[dreg:$0x2] =	wrdreg s5  }
0xaf: {  	[dreg:$0x3] =	wrdreg s6  }
0xb0: {  	[dreg:$0x4] =	wrdreg $0xC0  }
0xb1: {  	_ =	task [dreg:s9], $0x5FFFF  }
0xb2: {  	[dreg:$0x1] =	wrdreg $0xFFFFFFFF  }
0xb3: {  	[dreg:$0x0] =	wrdreg $0x60  }
0xb4: {  	[dreg:$0x2] =	wrdreg s18  }
0xb5: {  	[dreg:$0x3] =	wrdreg s16  }
0xb6: {  	[dreg:$0x4] =	wrdreg s17  }
0xb7: {  	[dreg:$0x5] =	wrdreg $0x9  }
0xb8: {  	_ =	task.clear_ibuf [dreg:s9], $0x6FFFF;
	_ =	strace $0x9000004C  }
0xb9: {  	s29 =	simm.s32 $0x9;
	_ =	strace $0x8000004E  }
0xba: {  	_ =	swait.ge [sflag:s29], $0x1  }
0xbb: {  	[sflag:s29] =	ssyncadd.s32 $0xFFFFFFFF  }
0xbc: {  	_ =	strace $0x9000004E  }
0xbd: {  	_ =	sfence  }
0xbe: {  	s30 =	sld [smem:$0x0];
	_ =	sdelay $0x2  }
0xbf: {  	s31 =	sshll.u32 s1, $0xD;
	s1 =	sshrl.u32 s1, $0x2  }
0xc0: {  	s3 =	sand.u32 $0x4000, s31;
	s1 =	sadd.s32 s1, s30  }
0xc1: {  	s0 =	sor.u32 s3, s0;
	s1 =	sshll.u32 s1, $0x11  }
0xc2: {  	s0 =	sor.u32 s1, s0  }
0xc3: {  	s0 =	sadd.s32 $0x8F2B, s0  }
0xc4: {  	[sflag:s0] =	ssyncadd.remote.s32 $0x1  }
0xc5: {  	_ =	sfence.sel $0xFFFF  }
0xc6: {  	[dreg:$0x0] =	wrdreg $0xFFFFFFFF;
	(pc) =	sbr.abs _section_cstart, $3  }
0xc7: {  	[dreg:$0x1] =	wrdreg $0xFFFFFFFF  }
0xc8: {  	_ =	task.clear_ibuf [dreg:s9], $0x2FFFF;
	_ =	strace $0x9FFFFFFF  }
0xc9: {  	(tm) =	ssettm $0x7FFFFFFF  }
tec
execute0_lowered:
.L_overlay_start_1:
0x0: {  	(tag) =	ssettag $0x1  }
0x1: {  	s4 =	rddreg [dreg:$0x0]  }
0x2: {  	s2 =	rddreg [dreg:$0x1]  }
0x3: {  	s5 =	rddreg [dreg:$0x2];
	s3 =	srdreg.scid  }
0x4: {  	s0 =	rddreg [dreg:$0x3];
	s1 =	stileid.u32;
	s10 =	simm.s32 $0x1080  }
0x5: {  	s11 =	simm.s32 $0x1880;
	s12 =	simm.s32 $0x2080;
	s13 =	simm.s32 $0x2880  }
0x6: {  	s14 =	simm.s32 $0x3080;
	s15 =	simm.s32 $0x3880;
	s16 =	simm.s32 $0x4080  }
0x7: {  	s17 =	simm.s32 $0x4880;
	s18 =	simm.s32 $0x5080;
	s19 =	simm.s32 $0x5880  }
0x8: {  	s20 =	simm.s32 $0x6080;
	s21 =	simm.s32 $0x6880;
	s22 =	simm.s32 $0x7080  }
0x9: {  	s23 =	simm.s32 $0x7880;
	s24 =	simm.s32 $0x1;
	s6 =	sand.u32 $0x1, s3  }
0xa: {  	s3 =	simm.s32 $0x0;
	s7 =	sshll.u32 s1, $0x8;
	s8 =	sshll.u32 s6, $0x7  }
0xb: {  	[smem:$0x7FF] =	sst s3;
	s6 =	ssub.s32 $0x2, s6;
	s7 =	sor.u32 s8, s7  }
0xc: {  	_ =	strace $0x8000004D;
	s31 =	sshrl.u32 s6, $0x1;
	s8 =	simm.s32 $0x80  }
0xd: {  	v2 =	vlaneseq.u32;
	s9 =	sshll.u32 s7, $0x5;
	s6 =	ssub.s32 s6, s31;
	s7 =	sshrl.u32 s7, $0x3  }
0xe: {  	vm0 =	vmmov $0xffff;
	v1 =	vshrl.u32 v2, $0x3;
	s5 =	sadd.s32 s9, s5;
	s4 =	sadd.s32 s4, s7;
	s6 =	smax.u32 s6, $0x1  }
0xf: {  	v0 =	vand.u32 $0x7, v2;
	v2 =	vor.u32 $0x8, v2;
	v1 =	vmul.u32 $0x8, v1;
	s7 =	simm.s32 $0x2;
	s9 =	simm.s32 $0x880;
	s5 =	sadd.s32 $0x40000, s5  }
.LBB2_1:
0x10: {  	[tilespmem:s3], [sflag:$0x2] =	stream.linear.gather [hbm4b:s4+s3], $0x80, $0x38;
	[tilespmem:$0x8080] =	vst v63  }
0x11: {  	_ =	swait.ge [sflag:s7], $0x80  }
0x12: {  	[sflag:s7] =	ssyncset.done $0x0  }
0x13: {  	[sflag:s7] =	ssyncadd.s32 $0xFFFFFF80  }
0x14: {  	v3 =	vld [tilespmem:$0x0];
	_ =	sdelay $0x4  }
0x15: {  	v4 =	vshll.u32 v3, $0x1  }
0x16: {  	v3 =	vand.u32 $0x7, v3;
	v4 =	vand.u32 $0xFFFFFFF0, v4  }
0x17: {  	v3 =	vor.u32 v3, v4  }
0x18: {  	v4 =	vperm.xlane v3, v0;
	_ =	sdelay $0x1  }
0x19: {  	v3 =	vperm.xlane v3, v2;
	v4 =	vadd.s32 v1, v4;
	_ =	sdelay $0x1  }
0x1a: {  	v3 =	vadd.s32 v1, v3;
	_ =	sdelay $0x2  }
0x1b: {  	[tilespmem:s8], [sflag:$0x1] =	stream.indirect_vreg.gather [hbm4b:s2+s3], $0x80, v4, vm0, $0xb8;
	[tilespmem:$0x8080] =	vst v63  }
0x1c: {  	_ = 	snop  }
0x1d: {  	[tilespmem:s9], [sflag:$0x1] =	stream.indirect_vreg.gather [hbm4b:s2+s3], $0x80, v3, vm0, $0xb8;
	[tilespmem:$0x8080] =	vst v63  }
0x1e: {  	v3 =	vld [tilespmem:$0x10];
	_ =	sdelay $0x4  }
0x1f: {  	v57 =	vshll.u32 v3, $0x1  }
0x20: {  	v3 =	vand.u32 $0x7, v3;
	v4 =	vand.u32 $0xFFFFFFF0, v57  }
0x21: {  	v3 =	vor.u32 v3, v4  }
0x22: {  	v4 =	vperm.xlane v3, v0;
	_ =	sdelay $0x1  }
0x23: {  	v3 =	vperm.xlane v3, v2;
	v4 =	vadd.s32 v1, v4;
	_ =	sdelay $0x1  }
0x24: {  	v3 =	vadd.s32 v1, v3;
	_ =	sdelay $0x2  }
0x25: {  	[tilespmem:s10], [sflag:$0x1] =	stream.indirect_vreg.gather [hbm4b:s2+s3], $0x80, v4, vm0, $0xb8;
	[tilespmem:$0x8080] =	vst v63  }
0x26: {  	_ = 	snop  }
0x27: {  	[tilespmem:s11], [sflag:$0x1] =	stream.indirect_vreg.gather [hbm4b:s2+s3], $0x80, v3, vm0, $0xb8;
	[tilespmem:$0x8080] =	vst v63  }
0x28: {  	v3 =	vld [tilespmem:$0x20];
	_ =	sdelay $0x4  }
0x29: {  	v58 =	vshll.u32 v3, $0x1  }
0x2a: {  	v3 =	vand.u32 $0x7, v3;
	v4 =	vand.u32 $0xFFFFFFF0, v58  }
0x2b: {  	v3 =	vor.u32 v3, v4  }
0x2c: {  	v4 =	vperm.xlane v3, v0;
	_ =	sdelay $0x1  }
0x2d: {  	v3 =	vperm.xlane v3, v2;
	v4 =	vadd.s32 v1, v4;
	_ =	sdelay $0x1  }
0x2e: {  	v3 =	vadd.s32 v1, v3;
	_ =	sdelay $0x2  }
0x2f: {  	[tilespmem:s12], [sflag:$0x1] =	stream.indirect_vreg.gather [hbm4b:s2+s3], $0x80, v4, vm0, $0xb8;
	[tilespmem:$0x8080] =	vst v63  }
0x30: {  	_ = 	snop  }
0x31: {  	[tilespmem:s13], [sflag:$0x1] =	stream.indirect_vreg.gather [hbm4b:s2+s3], $0x80, v3, vm0, $0xb8;
	[tilespmem:$0x8080] =	vst v63  }
0x32: {  	v3 =	vld [tilespmem:$0x30];
	_ =	sdelay $0x4  }
0x33: {  	v59 =	vshll.u32 v3, $0x1  }
0x34: {  	v3 =	vand.u32 $0x7, v3;
	v4 =	vand.u32 $0xFFFFFFF0, v59  }
0x35: {  	v3 =	vor.u32 v3, v4  }
0x36: {  	v4 =	vperm.xlane v3, v0;
	_ =	sdelay $0x1  }
0x37: {  	v3 =	vperm.xlane v3, v2;
	v4 =	vadd.s32 v1, v4;
	_ =	sdelay $0x1  }
0x38: {  	v3 =	vadd.s32 v1, v3;
	_ =	sdelay $0x2  }
0x39: {  	[tilespmem:s14], [sflag:$0x1] =	stream.indirect_vreg.gather [hbm4b:s2+s3], $0x80, v4, vm0, $0xb8;
	[tilespmem:$0x8080] =	vst v63  }
0x3a: {  	_ = 	snop  }
0x3b: {  	[tilespmem:s15], [sflag:$0x1] =	stream.indirect_vreg.gather [hbm4b:s2+s3], $0x80, v3, vm0, $0xb8;
	[tilespmem:$0x8080] =	vst v63  }
0x3c: {  	v3 =	vld [tilespmem:$0x40];
	_ =	sdelay $0x4  }
0x3d: {  	v60 =	vshll.u32 v3, $0x1  }
0x3e: {  	v3 =	vand.u32 $0x7, v3;
	v4 =	vand.u32 $0xFFFFFFF0, v60  }
0x3f: {  	v3 =	vor.u32 v3, v4  }
0x40: {  	v4 =	vperm.xlane v3, v0;
	_ =	sdelay $0x1  }
0x41: {  	v3 =	vperm.xlane v3, v2;
	v4 =	vadd.s32 v1, v4;
	_ =	sdelay $0x1  }
0x42: {  	v3 =	vadd.s32 v1, v3;
	_ =	sdelay $0x2  }
0x43: {  	[tilespmem:s16], [sflag:$0x1] =	stream.indirect_vreg.gather [hbm4b:s2+s3], $0x80, v4, vm0, $0xb8;
	[tilespmem:$0x8080] =	vst v63  }
0x44: {  	_ = 	snop  }
0x45: {  	[tilespmem:s17], [sflag:$0x1] =	stream.indirect_vreg.gather [hbm4b:s2+s3], $0x80, v3, vm0, $0xb8;
	[tilespmem:$0x8080] =	vst v63  }
0x46: {  	v3 =	vld [tilespmem:$0x50];
	_ =	sdelay $0x4  }
0x47: {  	v61 =	vshll.u32 v3, $0x1  }
0x48: {  	v3 =	vand.u32 $0x7, v3;
	v4 =	vand.u32 $0xFFFFFFF0, v61  }
0x49: {  	v3 =	vor.u32 v3, v4  }
0x4a: {  	v4 =	vperm.xlane v3, v0;
	_ =	sdelay $0x1  }
0x4b: {  	v3 =	vperm.xlane v3, v2;
	v4 =	vadd.s32 v1, v4;
	_ =	sdelay $0x1  }
0x4c: {  	v3 =	vadd.s32 v1, v3;
	_ =	sdelay $0x2  }
0x4d: {  	[tilespmem:s18], [sflag:$0x1] =	stream.indirect_vreg.gather [hbm4b:s2+s3], $0x80, v4, vm0, $0xb8;
	[tilespmem:$0x8080] =	vst v63  }
0x4e: {  	_ = 	snop  }
0x4f: {  	[tilespmem:s19], [sflag:$0x1] =	stream.indirect_vreg.gather [hbm4b:s2+s3], $0x80, v3, vm0, $0xb8;
	[tilespmem:$0x8080] =	vst v63  }
0x50: {  	v3 =	vld [tilespmem:$0x60];
	_ =	sdelay $0x4  }
0x51: {  	v62 =	vshll.u32 v3, $0x1  }
0x52: {  	v3 =	vand.u32 $0x7, v3;
	v4 =	vand.u32 $0xFFFFFFF0, v62  }
0x53: {  	v3 =	vor.u32 v3, v4  }
0x54: {  	v4 =	vperm.xlane v3, v0;
	_ =	sdelay $0x1  }
0x55: {  	v3 =	vperm.xlane v3, v2;
	v4 =	vadd.s32 v1, v4;
	_ =	sdelay $0x1  }
0x56: {  	v3 =	vadd.s32 v1, v3;
	_ =	sdelay $0x2  }
0x57: {  	[tilespmem:s20], [sflag:$0x1] =	stream.indirect_vreg.gather [hbm4b:s2+s3], $0x80, v4, vm0, $0xb8;
	[tilespmem:$0x8080] =	vst v63  }
0x58: {  	_ = 	snop  }
0x59: {  	[tilespmem:s21], [sflag:$0x1] =	stream.indirect_vreg.gather [hbm4b:s2+s3], $0x80, v3, vm0, $0xb8;
	[tilespmem:$0x8080] =	vst v63  }
0x5a: {  	v3 =	vld [tilespmem:$0x70];
	_ =	sdelay $0x4  }
0x5b: {  	v63 =	vshll.u32 v3, $0x1  }
0x5c: {  	v3 =	vand.u32 $0x7, v3;
	v4 =	vand.u32 $0xFFFFFFF0, v63  }
0x5d: {  	v3 =	vor.u32 v3, v4  }
0x5e: {  	v4 =	vperm.xlane v3, v0;
	_ =	sdelay $0x1  }
0x5f: {  	v3 =	vperm.xlane v3, v2;
	v4 =	vadd.s32 v1, v4;
	_ =	sdelay $0x1  }
0x60: {  	v3 =	vadd.s32 v1, v3;
	_ =	sdelay $0x2  }
0x61: {  	[tilespmem:s22], [sflag:$0x1] =	stream.indirect_vreg.gather [hbm4b:s2+s3], $0x80, v4, vm0, $0xb8;
	[tilespmem:$0x8080] =	vst v63  }
0x62: {  	_ = 	snop  }
0x63: {  	[tilespmem:s23], [sflag:$0x1] =	stream.indirect_vreg.gather [hbm4b:s2+s3], $0x80, v3, vm0, $0xb8;
	[tilespmem:$0x8080] =	vst v63  }
0x64: {  	_ =	swait.ge [sflag:s24], $0x8000  }
0x65: {  	p0 =	sne.s32 s6, $0x1;
	[sflag:s24] =	ssyncset.done $0x0  }
.Ltmp0:
0x66: {  	[sflag:s24] =	ssyncadd.s32 $0xFFFF8000;
	(pc) =	sbr.rel @p0 .LBB2_1-.Ltmp0, $4  }
0x67: {  	[hbm4b:s5+s3] =	stream.linear.scatter [tilespmem:s8], [sflag:$0x2], $0x8000, $0x38;
	[tilespmem:$0x8080] =	vst v63  }
0x68: {  	_ =	swait.ge [sflag:s7], $0x8000  }
0x69: {  	[sflag:s7] =	ssyncset.done $0x0  }
0x6a: {  	s6 =	sadd.s32 $0xFFFFFFFF, s6;
	[sflag:s7] =	ssyncadd.s32 $0xFFFF8000  }
0x6b: {  	_ =	sfence.sel $0x180000  }
0x6c: {  	[bflag:$0x0] =	sbarrier.arrive $0xFFFF  }
0x6d: {  	p0 =	sne.s32 s1, $0x0;
	_ =	strace $0x9000004D  }
0x6e: {  	s0 =	sadd.s32 @!p0 $0x100000, s0;
	[bflag:$0x2] =	sbarrier.arrive $0xFFFF  }
0x6f: {  	[sflag:s0] =	ssyncadd.tile.s32 @!p0 $0x1;
	_ =	shalt  }
.Lfunc_end2:
_tile_overlayer_lowered:
.L_overlay_start_2:
0x70: {  	(tag) =	ssettag $0x2  }
0x71: {  	s0 =	rddreg [dreg:$0x0];
	s2 =	stileid.u32  }
0x72: {  	s1 =	rddreg [dreg:$0x1];
	p0 =	sne.s32 s2, $0x0  }
0x73: {  	s3 =	rddreg [dreg:$0x2];
	[bflag:$0x3] =	sbarrier.arrive $0xFFFF;
	s2 =	simm.s32 @!p0 $0x1C02  }
0x74: {  	[timem:s3], [sflag:s2] =	dma.local @!p0 [hbm:s0], s1  }
0x75: {  	s0 =	simm.s32 @!p0 $0x2  }
0x76: {  	_ =	swait.ge @!p0 [sflag:s0], s1  }
0x77: {  	s1 =	ssub.s32 @!p0 $0x0, s1;
	[sflag:s0] =	ssyncset.done @!p0 $0x0  }
0x78: {  	[sflag:s0] =	ssyncadd.s32 @!p0 s1  }
0x79: {  	[bflag:$0x3] =	sbarrier.arrive $0xFFFF  }
0x7a: {  	_ =	shalt  }

// kernel: kernel.20.cloned.1.call-start
scs
__scs_entry_jumppad:
0x0: {  	(pc) =	sbr.rel $0x88, $3  }
0x1: {  	(tag) =	ssettag $0x0;
	lr =	simm.s32 $0x1  }
0x2: {  	[smem:$0x3F9F] =	sst lr;
	_ =	strace $0xD0000000  }
0x3: {  	_ = 	snop  }
0x4: {  	_ = 	snop  }
0x5: {  	_ = 	snop  }
0x6: {  	_ = 	snop  }
0x7: {  	_ = 	snop  }
__scs_overlays_trampoline_lowered:
0x8: {  	[smem:$0x3FAE] =	sst s0  }
0x9: {  	[smem:$0x3FAF] =	sst s1  }
0xa: {  	[smem:$0x3FB0] =	sst s2  }
0xb: {  	[smem:$0x3FB1] =	sst s3  }
0xc: {  	[smem:$0x3FB2] =	sst s4  }
0xd: {  	[smem:$0x3FB3] =	sst s5  }
0xe: {  	[smem:$0x3FB4] =	sst s6  }
0xf: {  	[smem:$0x3FB5] =	sst s7  }
0x10: {  	[smem:$0x3FB6] =	sst s8  }
0x11: {  	[smem:$0x3FB7] =	sst s9;
	s0 =	simm.s32 @!p0 $0x0  }
0x12: {  	s1 =	sld [smem:$0x3F9D];
	s0 =	simm.s32 @p0 $0x1  }
0x13: {  	[smem:$0x3FB8] =	sst s0;
	s0 =	simm.s32 @!p1 $0x0  }
0x14: {  	s2 =	sld [smem:$0x3F9C];
	s0 =	simm.s32 @p1 $0x1  }
0x15: {  	[smem:$0x3FB9] =	sst s0;
	s0 =	simm.s32 @!p2 $0x0  }
0x16: {  	s3 =	sld [smem:$0x3FDB];
	s0 =	simm.s32 @p2 $0x1  }
0x17: {  	s4 =	simm.s32 $0x1BF5;
	[smem:$0x3FBB] =	sst s0  }
0x18: {  	s0 =	sld [smem:$0x3F9E];
	_ =	swait.ge [sflag:s4], $0x0  }
0x19: {  	s7 =	sld [smem:$0x3F9F]  }
0x1a: {  	s8 =	sadd.s32 $0xFFFFE003, lr  }
0x1b: {  	s9 =	sadd.s32 $0xFFFFFEF7, lr;
	s5 =	simm.s32 $0xFFFFFFFF;
	p2 =	slt.u32 s8, $0xFFFFF086  }
0x1c: {  	p1 =	slt.u32 s9, $0xF7A;
	s5 =	simm.s32 @!p2 $0x0  }
0x1d: {  	s5 =	simm.s32 @p1 $0x1;
	p0 =	seq.s32 s7, s2  }
0x1e: {  	s7 =	smul.u32 @!p0 $0xF7A, s2;
	p2 =	seq.s32 @!p0 s5, $0x0  }
0x1f: {  	s9 =	smul.u32 $0xF7A, s1;
	s8 =	simm.s32 @!p0 $0x1BF5;
	p2 =	por !p2, p0  }
0x20: {  	[sflag:s8] =	ssyncset.s32 @!p0 $0xFFFFF086;
	s6 =	sadd.s32 @!p0 s3, s7;
	s7 =	simm.s32 @!p0 $0x108  }
0x21: {  	s3 =	sadd.s32 s3, s9;
	s6 =	sadd.s32 @!p0 $0x88, s6;
	s7 =	simm.s32 @p2 $0x1082  }
0x22: {  	[simem:s7], [sflag:s8] =	dma.local @!p0 [hbm:s6], $0xF7A  }
0x23: {  	s9 =	sor.u32 $0xD0000000, s2;
	s6 =	simm.s32 $0x108;
	_ =	swait.ge @!p0 [sflag:s8], $0x0  }
0x24: {  	s3 =	sadd.s32 $0x88, s3;
	s6 =	simm.s32 @!p1 $0x1082;
	[sflag:s4] =	ssyncset.s32 $0xFFFFF086  }
0x25: {  	[simem:s6], [sflag:s4] =	dma.local [hbm:s3], $0xF7A  }
0x26: {  	[smem:$0x3F9F] =	sst s1;
	(tag) =	ssettag s2;
	_ =	strace s9  }
0x27: {  	s1 =	sld [smem:$0x3FAF]  }
0x28: {  	s2 =	sld [smem:$0x3FB0]  }
0x29: {  	s4 =	sld [smem:$0x3FB2]  }
0x2a: {  	p0 =	seq.s32 s5, $0x0;
	s5 =	sld [smem:$0x3FB3]  }
0x2b: {  	s6 =	sld [smem:$0x3FB4]  }
0x2c: {  	s7 =	sld [smem:$0x3FB5]  }
0x2d: {  	s3 =	simm.s32 $0x108;
	s8 =	sld [smem:$0x3FB6]  }
0x2e: {  	s3 =	simm.s32 @!p0 $0x1082;
	s9 =	sld [smem:$0x3FB7]  }
0x2f: {  	lr =	sadd.s32 s0, s3;
	s0 =	sld [smem:$0x3FAE]  }
0x30: {  	s3 =	sld [smem:$0x3FB1]  }
0x31: {  	[smem:$0x3FBA] =	sst s10  }
0x32: {  	s10 =	sld [smem:$0x3FB8];
	_ =	sdelay $0x3  }
0x33: {  	p0 =	seq.s32 s10, $0x1;
	s10 =	sld [smem:$0x3FBA];
	_ =	sdelay $0x3  }
0x34: {  	[smem:$0x3FBA] =	sst s10  }
0x35: {  	s10 =	sld [smem:$0x3FB9];
	_ =	sdelay $0x3  }
0x36: {  	p1 =	seq.s32 s10, $0x1;
	s10 =	sld [smem:$0x3FBA];
	_ =	sdelay $0x3  }
0x37: {  	[smem:$0x3FBA] =	sst s10  }
0x38: {  	s10 =	sld [smem:$0x3FBB]  }
0x39: {  	_ = 	snop;
	(pc) =	sbr.ind lr, $3  }
0x3a: {  	_ = 	snop  }
0x3b: {  	_ = 	snop  }
0x3c: {  	p2 =	seq.s32 s10, $0x1;
	s10 =	sld [smem:$0x3FBA]  }
0x3d: {  	_ =	shalt  }
0x3e: {  	_ =	shalt  }
0x3f: {  	_ =	shalt  }
0x40: {  	_ =	shalt  }
0x41: {  	_ =	shalt  }
0x42: {  	_ =	shalt  }
0x43: {  	_ =	shalt  }
0x44: {  	_ =	shalt  }
0x45: {  	_ =	shalt  }
0x46: {  	_ =	shalt  }
0x47: {  	_ =	shalt  }
0x48: {  	_ =	shalt  }
0x49: {  	_ =	shalt  }
0x4a: {  	_ =	shalt  }
0x4b: {  	_ =	shalt  }
0x4c: {  	_ =	shalt  }
0x4d: {  	_ =	shalt  }
0x4e: {  	_ =	shalt  }
0x4f: {  	_ =	shalt  }
0x50: {  	_ =	shalt  }
0x51: {  	_ =	shalt  }
0x52: {  	_ =	shalt  }
0x53: {  	_ =	shalt  }
0x54: {  	_ =	shalt  }
0x55: {  	_ =	shalt  }
0x56: {  	_ =	shalt  }
0x57: {  	_ =	shalt  }
0x58: {  	_ =	shalt  }
0x59: {  	_ =	shalt  }
0x5a: {  	_ =	shalt  }
0x5b: {  	_ =	shalt  }
0x5c: {  	_ =	shalt  }
0x5d: {  	_ =	shalt  }
0x5e: {  	_ =	shalt  }
0x5f: {  	_ =	shalt  }
0x60: {  	_ =	shalt  }
0x61: {  	_ =	shalt  }
0x62: {  	_ =	shalt  }
0x63: {  	_ =	shalt  }
0x64: {  	_ =	shalt  }
0x65: {  	_ =	shalt  }
0x66: {  	_ =	shalt  }
0x67: {  	_ =	shalt  }
0x68: {  	_ =	shalt  }
0x69: {  	_ =	shalt  }
0x6a: {  	_ =	shalt  }
0x6b: {  	_ =	shalt  }
0x6c: {  	_ =	shalt  }
0x6d: {  	_ =	shalt  }
0x6e: {  	_ =	shalt  }
0x6f: {  	_ =	shalt  }
0x70: {  	_ =	shalt  }
0x71: {  	_ =	shalt  }
0x72: {  	_ =	shalt  }
0x73: {  	_ =	shalt  }
0x74: {  	_ =	shalt  }
0x75: {  	_ =	shalt  }
0x76: {  	_ =	shalt  }
0x77: {  	_ =	shalt  }
0x78: {  	_ =	shalt  }
0x79: {  	_ =	shalt  }
0x7a: {  	_ =	shalt  }
0x7b: {  	_ =	shalt  }
0x7c: {  	_ =	shalt  }
0x7d: {  	_ =	shalt  }
0x7e: {  	_ =	shalt  }
0x7f: {  	_ =	shalt  }
0x80: {  	_ =	shalt  }
0x81: {  	_ =	shalt  }
0x82: {  	_ =	shalt  }
0x83: {  	_ =	shalt  }
0x84: {  	_ =	shalt  }
0x85: {  	_ =	shalt  }
0x86: {  	_ =	shalt  }
0x87: {  	_ =	shalt  }
.Lfunc_end0:
.L_simem_size_0:
called_computation.3_lowered:
.L_overlay_start_0:
0x88: {  	s2 =	sld [smem:$0x3FD9]  }
0x89: {  	s3 =	sld [smem:$0x3FFE];
	_ =	sdelay $0x1  }
0x8a: {  	s1 =	srdreg.scid  }
0x8b: {  	s0 =	sand.u32 $0x1, s1  }
0x8c: {  	s14 =	sshll.u32 s0, $0xA;
	s2 =	sadd.s32 s3, s2  }
0x8d: {  	s2 =	sadd.s32 s2, s14  }
0x8e: {  	[smem:$0x3FC6] =	sst s2  }
0x8f: {  	_ = 	snop  }
0x90: {  	s2 =	sld [smem:$0x3FD0];
	_ =	sdelay $0x2  }
0x91: {  	s4 =	simm.s32 $0xA;
	s5 =	simm.s32 $0x10;
	s15 =	sld [smem:$0x3FC8]  }
0x92: {  	[smem:s5], [sflag:s4] =	dma.local [hbm:s2], $0x1  }
0x93: {  	_ =	swait.eq [sflag:s4], $0x1  }
0x94: {  	[sflag:s4] =	ssyncset.done $0x0  }
0x95: {  	[sflag:s4] =	ssyncadd.s32 $0xFFFFFFFF  }
0x96: {  	s16 =	sld [smem:$0x10];
	(tm) =	ssettm $0x1  }
0x97: {  	s17 =	sld [smem:$0x3FFB];
	_ =	sdelay $0x3  }
0x98: {  	_ =	strace s17  }
0x99: {  	s4 =	sld [smem:$0x3FFC];
	_ =	sdelay $0x3  }
0x9a: {  	_ =	strace s4  }
0x9b: {  	s4 =	sld [smem:$0x3FFD];
	_ =	sdelay $0x3  }
0x9c: {  	_ =	strace s4  }
0x9d: {  	_ =	strace $0x8FFFFFFF  }
0x9e: {  	s18 =	sld [smem:$0x3FDB];
	_ =	sdelay $0x1  }
0x9f: {  	s19 =	simm.s32 $_scs_section_size  }
0xa0: {  	s6 =	simm.s32 $_size__tile_overlayer_lowered;
	s7 =	simm.s32 $_tile_overlayer_lowered  }
0xa1: {  	s22 =	simm.s32 $0x1BFF;
	s21 =	sshll.u32 s7, $0x1;
	s4 =	sadd.s32 s19, s18  }
0xa2: {  	s8 =	simm.s32 $0x0;
	s20 =	sshll.u32 s6, $0x1;
	s6 =	sadd.s32 s21, s4  }
0xa3: {  	[timem:s8], [sflag:s22] =	dma.local [hbm:s6], s20  }
0xa4: {  	_ =	swait.ge [sflag:s22], s20  }
0xa5: {  	s5 =	ssub.s32 $0x0, s20;
	[sflag:s22] =	ssyncset.done $0x0  }
0xa6: {  	[sflag:s22] =	ssyncadd.s32 s5;
	_ =	sdelay $0x1  }
0xa7: {  	s23 =	simm.s32 $0x1B8B  }
0xa8: {  	_ =	swait.ge [sflag:s23], $0x1  }
0xa9: {  	[sflag:s23] =	ssyncset.done $0x0  }
0xaa: {  	s25 =	simm.s32 $0x1B8E;
	s24 =	sld [smem:$0x3FFE];
	[sflag:s23] =	ssyncadd.s32 $0xFFFFFFFF  }
0xab: {  	s26 =	simm.s32 $execute0_lowered;
	[smem:$0x3FD2] =	sst s25  }
0xac: {  	s6 =	sshll.u32 s26, $0x1;
	_ =	strace $0x8000004F;
	[dreg:$0x1] =	wrdreg $0xFFFFFFFF  }
0xad: {  	s28 =	simm.s32 $_size_execute0_lowered;
	s4 =	sadd.s32 s4, s6;
	[dreg:$0x0] =	wrdreg $0x0  }
0xae: {  	s6 =	sshll.u32 s28, $0x1;
	[dreg:$0x2] =	wrdreg s4  }
0xaf: {  	[dreg:$0x3] =	wrdreg s6  }
0xb0: {  	[dreg:$0x4] =	wrdreg $0xC0  }
0xb1: {  	_ =	task [dreg:s8], $0x5FFFF  }
0xb2: {  	[dreg:$0x1] =	wrdreg $0xFFFFFFFF  }
0xb3: {  	[dreg:$0x0] =	wrdreg $0x60  }
0xb4: {  	[dreg:$0x2] =	wrdreg s24  }
0xb5: {  	[dreg:$0x3] =	wrdreg s15  }
0xb6: {  	[dreg:$0x4] =	wrdreg s16  }
0xb7: {  	[dreg:$0x5] =	wrdreg $0x9  }
0xb8: {  	_ =	task.clear_ibuf [dreg:s8], $0x6FFFF;
	_ =	strace $0x9000004F  }
0xb9: {  	s29 =	simm.s32 $0x9;
	_ =	strace $0x80000051  }
0xba: {  	_ =	swait.ge [sflag:s29], $0x1  }
0xbb: {  	[sflag:s29] =	ssyncadd.s32 $0xFFFFFFFF  }
0xbc: {  	_ =	strace $0x90000051  }
0xbd: {  	_ =	sfence  }
0xbe: {  	s30 =	sld [smem:$0x0];
	_ =	sdelay $0x2  }
0xbf: {  	s31 =	sshll.u32 s1, $0xD;
	s1 =	sshrl.u32 s1, $0x2  }
0xc0: {  	s3 =	sand.u32 $0x4000, s31;
	s1 =	sadd.s32 s1, s30  }
0xc1: {  	s0 =	sor.u32 s3, s0;
	s1 =	sshll.u32 s1, $0x11  }
0xc2: {  	s0 =	sor.u32 s1, s0  }
0xc3: {  	s0 =	sadd.s32 $0x8F2B, s0  }
0xc4: {  	[sflag:s0] =	ssyncadd.remote.s32 $0x1  }
0xc5: {  	_ =	sfence.sel $0xFFFF  }
0xc6: {  	[dreg:$0x0] =	wrdreg $0xFFFFFFFF;
	(pc) =	sbr.abs _section_cstart, $3  }
0xc7: {  	[dreg:$0x1] =	wrdreg $0xFFFFFFFF  }
0xc8: {  	_ =	task.clear_ibuf [dreg:s8], $0x2FFFF;
	_ =	strace $0x9FFFFFFF  }
0xc9: {  	(tm) =	ssettm $0x7FFFFFFF  }
tec
execute0_lowered:
.L_overlay_start_1:
0x0: {  	(tag) =	ssettag $0x1  }
0x1: {  	s4 =	rddreg [dreg:$0x0]  }
0x2: {  	s1 =	rddreg [dreg:$0x1]  }
0x3: {  	s5 =	rddreg [dreg:$0x2]  }
0x4: {  	s0 =	rddreg [dreg:$0x3];
	s6 =	srdreg.scid  }
0x5: {  	s3 =	simm.s32 $0x0;
	s2 =	stileid.u32;
	s10 =	simm.s32 $0x1080  }
0x6: {  	s11 =	simm.s32 $0x1880;
	s12 =	simm.s32 $0x2080;
	s13 =	simm.s32 $0x2880  }
0x7: {  	s14 =	simm.s32 $0x3080;
	s15 =	simm.s32 $0x3880;
	s16 =	simm.s32 $0x4080  }
0x8: {  	s17 =	simm.s32 $0x4880;
	s18 =	simm.s32 $0x5080;
	s19 =	simm.s32 $0x5880  }
0x9: {  	s20 =	simm.s32 $0x6080;
	s21 =	simm.s32 $0x6880;
	s22 =	simm.s32 $0x7080  }
0xa: {  	s23 =	simm.s32 $0x7880;
	s24 =	simm.s32 $0x1;
	s6 =	sand.u32 $0x1, s6  }
0xb: {  	[smem:$0x7FF] =	sst s3;
	s7 =	sshll.u32 s2, $0x8;
	s8 =	sshll.u32 s6, $0x7  }
0xc: {  	_ =	strace $0x80000050;
	s6 =	ssub.s32 $0x2, s6;
	s7 =	sor.u32 s8, s7  }
0xd: {  	s9 =	sshrl.u32 s6, $0x1;
	s8 =	sshrl.u32 s7, $0x3;
	s7 =	sshll.u32 s7, $0x5  }
0xe: {  	v2 =	vlaneseq.u32;
	s6 =	ssub.s32 s6, s9;
	s9 =	simm.s32 $0x880;
	s4 =	sadd.s32 s8, s4  }
0xf: {  	vm0 =	vmmov $0xffff;
	v1 =	vshrl.u32 v2, $0x3;
	s5 =	sadd.s32 s7, s5;
	s6 =	smax.u32 s6, $0x1;
	s7 =	simm.s32 $0x2  }
0x10: {  	v0 =	vand.u32 $0x7, v2;
	v2 =	vor.u32 $0x8, v2;
	v1 =	vmul.u32 $0x8, v1;
	s8 =	simm.s32 $0x80;
	s4 =	sadd.s32 $0x3200, s4;
	s5 =	sadd.s32 $0x60000, s5  }
.LBB2_1:
0x11: {  	[tilespmem:s3], [sflag:$0x2] =	stream.linear.gather [hbm4b:s4+s3], $0x80, $0x38;
	[tilespmem:$0x8080] =	vst v63  }
0x12: {  	_ =	swait.ge [sflag:s7], $0x80  }
0x13: {  	[sflag:s7] =	ssyncset.done $0x0  }
0x14: {  	[sflag:s7] =	ssyncadd.s32 $0xFFFFFF80  }
0x15: {  	v3 =	vld [tilespmem:$0x0];
	_ =	sdelay $0x4  }
0x16: {  	v4 =	vshll.u32 v3, $0x1  }
0x17: {  	v3 =	vand.u32 $0x7, v3;
	v4 =	vand.u32 $0xFFFFFFF0, v4  }
0x18: {  	v3 =	vor.u32 v3, v4  }
0x19: {  	v4 =	vperm.xlane v3, v0;
	_ =	sdelay $0x1  }
0x1a: {  	v3 =	vperm.xlane v3, v2;
	v4 =	vadd.s32 v1, v4;
	_ =	sdelay $0x1  }
0x1b: {  	v3 =	vadd.s32 v1, v3;
	_ =	sdelay $0x2  }
0x1c: {  	[tilespmem:s8], [sflag:$0x1] =	stream.indirect_vreg.gather [hbm4b:s1+s3], $0x80, v4, vm0, $0xb8;
	[tilespmem:$0x8080] =	vst v63  }
0x1d: {  	_ = 	snop  }
0x1e: {  	[tilespmem:s9], [sflag:$0x1] =	stream.indirect_vreg.gather [hbm4b:s1+s3], $0x80, v3, vm0, $0xb8;
	[tilespmem:$0x8080] =	vst v63  }
0x1f: {  	v3 =	vld [tilespmem:$0x10];
	_ =	sdelay $0x4  }
0x20: {  	v57 =	vshll.u32 v3, $0x1  }
0x21: {  	v3 =	vand.u32 $0x7, v3;
	v4 =	vand.u32 $0xFFFFFFF0, v57  }
0x22: {  	v3 =	vor.u32 v3, v4  }
0x23: {  	v4 =	vperm.xlane v3, v0;
	_ =	sdelay $0x1  }
0x24: {  	v3 =	vperm.xlane v3, v2;
	v4 =	vadd.s32 v1, v4;
	_ =	sdelay $0x1  }
0x25: {  	v3 =	vadd.s32 v1, v3;
	_ =	sdelay $0x2  }
0x26: {  	[tilespmem:s10], [sflag:$0x1] =	stream.indirect_vreg.gather [hbm4b:s1+s3], $0x80, v4, vm0, $0xb8;
	[tilespmem:$0x8080] =	vst v63  }
0x27: {  	_ = 	snop  }
0x28: {  	[tilespmem:s11], [sflag:$0x1] =	stream.indirect_vreg.gather [hbm4b:s1+s3], $0x80, v3, vm0, $0xb8;
	[tilespmem:$0x8080] =	vst v63  }
0x29: {  	v3 =	vld [tilespmem:$0x20];
	_ =	sdelay $0x4  }
0x2a: {  	v58 =	vshll.u32 v3, $0x1  }
0x2b: {  	v3 =	vand.u32 $0x7, v3;
	v4 =	vand.u32 $0xFFFFFFF0, v58  }
0x2c: {  	v3 =	vor.u32 v3, v4  }
0x2d: {  	v4 =	vperm.xlane v3, v0;
	_ =	sdelay $0x1  }
0x2e: {  	v3 =	vperm.xlane v3, v2;
	v4 =	vadd.s32 v1, v4;
	_ =	sdelay $0x1  }
0x2f: {  	v3 =	vadd.s32 v1, v3;
	_ =	sdelay $0x2  }
0x30: {  	[tilespmem:s12], [sflag:$0x1] =	stream.indirect_vreg.gather [hbm4b:s1+s3], $0x80, v4, vm0, $0xb8;
	[tilespmem:$0x8080] =	vst v63  }
0x31: {  	_ = 	snop  }
0x32: {  	[tilespmem:s13], [sflag:$0x1] =	stream.indirect_vreg.gather [hbm4b:s1+s3], $0x80, v3, vm0, $0xb8;
	[tilespmem:$0x8080] =	vst v63  }
0x33: {  	v3 =	vld [tilespmem:$0x30];
	_ =	sdelay $0x4  }
0x34: {  	v59 =	vshll.u32 v3, $0x1  }
0x35: {  	v3 =	vand.u32 $0x7, v3;
	v4 =	vand.u32 $0xFFFFFFF0, v59  }
0x36: {  	v3 =	vor.u32 v3, v4  }
0x37: {  	v4 =	vperm.xlane v3, v0;
	_ =	sdelay $0x1  }
0x38: {  	v3 =	vperm.xlane v3, v2;
	v4 =	vadd.s32 v1, v4;
	_ =	sdelay $0x1  }
0x39: {  	v3 =	vadd.s32 v1, v3;
	_ =	sdelay $0x2  }
0x3a: {  	[tilespmem:s14], [sflag:$0x1] =	stream.indirect_vreg.gather [hbm4b:s1+s3], $0x80, v4, vm0, $0xb8;
	[tilespmem:$0x8080] =	vst v63  }
0x3b: {  	_ = 	snop  }
0x3c: {  	[tilespmem:s15], [sflag:$0x1] =	stream.indirect_vreg.gather [hbm4b:s1+s3], $0x80, v3, vm0, $0xb8;
	[tilespmem:$0x8080] =	vst v63  }
0x3d: {  	v3 =	vld [tilespmem:$0x40];
	_ =	sdelay $0x4  }
0x3e: {  	v60 =	vshll.u32 v3, $0x1  }
0x3f: {  	v3 =	vand.u32 $0x7, v3;
	v4 =	vand.u32 $0xFFFFFFF0, v60  }
0x40: {  	v3 =	vor.u32 v3, v4  }
0x41: {  	v4 =	vperm.xlane v3, v0;
	_ =	sdelay $0x1  }
0x42: {  	v3 =	vperm.xlane v3, v2;
	v4 =	vadd.s32 v1, v4;
	_ =	sdelay $0x1  }
0x43: {  	v3 =	vadd.s32 v1, v3;
	_ =	sdelay $0x2  }
0x44: {  	[tilespmem:s16], [sflag:$0x1] =	stream.indirect_vreg.gather [hbm4b:s1+s3], $0x80, v4, vm0, $0xb8;
	[tilespmem:$0x8080] =	vst v63  }
0x45: {  	_ = 	snop  }
0x46: {  	[tilespmem:s17], [sflag:$0x1] =	stream.indirect_vreg.gather [hbm4b:s1+s3], $0x80, v3, vm0, $0xb8;
	[tilespmem:$0x8080] =	vst v63  }
0x47: {  	v3 =	vld [tilespmem:$0x50];
	_ =	sdelay $0x4  }
0x48: {  	v61 =	vshll.u32 v3, $0x1  }
0x49: {  	v3 =	vand.u32 $0x7, v3;
	v4 =	vand.u32 $0xFFFFFFF0, v61  }
0x4a: {  	v3 =	vor.u32 v3, v4  }
0x4b: {  	v4 =	vperm.xlane v3, v0;
	_ =	sdelay $0x1  }
0x4c: {  	v3 =	vperm.xlane v3, v2;
	v4 =	vadd.s32 v1, v4;
	_ =	sdelay $0x1  }
0x4d: {  	v3 =	vadd.s32 v1, v3;
	_ =	sdelay $0x2  }
0x4e: {  	[tilespmem:s18], [sflag:$0x1] =	stream.indirect_vreg.gather [hbm4b:s1+s3], $0x80, v4, vm0, $0xb8;
	[tilespmem:$0x8080] =	vst v63  }
0x4f: {  	_ = 	snop  }
0x50: {  	[tilespmem:s19], [sflag:$0x1] =	stream.indirect_vreg.gather [hbm4b:s1+s3], $0x80, v3, vm0, $0xb8;
	[tilespmem:$0x8080] =	vst v63  }
0x51: {  	v3 =	vld [tilespmem:$0x60];
	_ =	sdelay $0x4  }
0x52: {  	v62 =	vshll.u32 v3, $0x1  }
0x53: {  	v3 =	vand.u32 $0x7, v3;
	v4 =	vand.u32 $0xFFFFFFF0, v62  }
0x54: {  	v3 =	vor.u32 v3, v4  }
0x55: {  	v4 =	vperm.xlane v3, v0;
	_ =	sdelay $0x1  }
0x56: {  	v3 =	vperm.xlane v3, v2;
	v4 =	vadd.s32 v1, v4;
	_ =	sdelay $0x1  }
0x57: {  	v3 =	vadd.s32 v1, v3;
	_ =	sdelay $0x2  }
0x58: {  	[tilespmem:s20], [sflag:$0x1] =	stream.indirect_vreg.gather [hbm4b:s1+s3], $0x80, v4, vm0, $0xb8;
	[tilespmem:$0x8080] =	vst v63  }
0x59: {  	_ = 	snop  }
0x5a: {  	[tilespmem:s21], [sflag:$0x1] =	stream.indirect_vreg.gather [hbm4b:s1+s3], $0x80, v3, vm0, $0xb8;
	[tilespmem:$0x8080] =	vst v63  }
0x5b: {  	v3 =	vld [tilespmem:$0x70];
	_ =	sdelay $0x4  }
0x5c: {  	v63 =	vshll.u32 v3, $0x1  }
0x5d: {  	v3 =	vand.u32 $0x7, v3;
	v4 =	vand.u32 $0xFFFFFFF0, v63  }
0x5e: {  	v3 =	vor.u32 v3, v4  }
0x5f: {  	v4 =	vperm.xlane v3, v0;
	_ =	sdelay $0x1  }
0x60: {  	v3 =	vperm.xlane v3, v2;
	v4 =	vadd.s32 v1, v4;
	_ =	sdelay $0x1  }
0x61: {  	v3 =	vadd.s32 v1, v3;
	_ =	sdelay $0x2  }
0x62: {  	[tilespmem:s22], [sflag:$0x1] =	stream.indirect_vreg.gather [hbm4b:s1+s3], $0x80, v4, vm0, $0xb8;
	[tilespmem:$0x8080] =	vst v63  }
0x63: {  	_ = 	snop  }
0x64: {  	[tilespmem:s23], [sflag:$0x1] =	stream.indirect_vreg.gather [hbm4b:s1+s3], $0x80, v3, vm0, $0xb8;
	[tilespmem:$0x8080] =	vst v63  }
0x65: {  	_ =	swait.ge [sflag:s24], $0x8000  }
0x66: {  	p0 =	sne.s32 s6, $0x1;
	[sflag:s24] =	ssyncset.done $0x0  }
.Ltmp0:
0x67: {  	[sflag:s24] =	ssyncadd.s32 $0xFFFF8000;
	(pc) =	sbr.rel @p0 .LBB2_1-.Ltmp0, $4  }
0x68: {  	[hbm4b:s5+s3] =	stream.linear.scatter [tilespmem:s8], [sflag:$0x2], $0x8000, $0x38;
	[tilespmem:$0x8080] =	vst v63  }
0x69: {  	_ =	swait.ge [sflag:s7], $0x8000  }
0x6a: {  	[sflag:s7] =	ssyncset.done $0x0  }
0x6b: {  	s6 =	sadd.s32 $0xFFFFFFFF, s6;
	[sflag:s7] =	ssyncadd.s32 $0xFFFF8000  }
0x6c: {  	_ =	sfence.sel $0x180000  }
0x6d: {  	[bflag:$0x0] =	sbarrier.arrive $0xFFFF  }
0x6e: {  	p0 =	sne.s32 s2, $0x0;
	_ =	strace $0x90000050  }
0x6f: {  	s0 =	sadd.s32 @!p0 $0x100000, s0;
	[bflag:$0x2] =	sbarrier.arrive $0xFFFF  }
0x70: {  	[sflag:s0] =	ssyncadd.tile.s32 @!p0 $0x1;
	_ =	shalt  }
.Lfunc_end2:
_tile_overlayer_lowered:
.L_overlay_start_2:
0x71: {  	(tag) =	ssettag $0x2  }
0x72: {  	s0 =	rddreg [dreg:$0x0];
	s2 =	stileid.u32  }
0x73: {  	s1 =	rddreg [dreg:$0x1];
	p0 =	sne.s32 s2, $0x0  }
0x74: {  	s3 =	rddreg [dreg:$0x2];
	[bflag:$0x3] =	sbarrier.arrive $0xFFFF;
	s2 =	simm.s32 @!p0 $0x1C02  }
0x75: {  	[timem:s3], [sflag:s2] =	dma.local @!p0 [hbm:s0], s1  }
0x76: {  	s0 =	simm.s32 @!p0 $0x2  }
0x77: {  	_ =	swait.ge @!p0 [sflag:s0], s1  }
0x78: {  	s1 =	ssub.s32 @!p0 $0x0, s1;
	[sflag:s0] =	ssyncset.done @!p0 $0x0  }
0x79: {  	[sflag:s0] =	ssyncadd.s32 @!p0 s1  }
0x7a: {  	[bflag:$0x3] =	sbarrier.arrive $0xFFFF  }
0x7b: {  	_ =	shalt  }

</sc_bundles>
